<compile_context>
chip_gen: v7x
topology: tpu7x:2x2x1
jax: 0.10.2.dev20260603
libtpu: 0.0.44.dev20260713+nightly
codegen_flags: <defaults>
</compile_context>

<pallas_src>
import functools

import jax
import jax.numpy as jnp
from jax import lax
from jax.experimental import pallas as pl
from jax.experimental.pallas import tpu as pltpu
from jax.experimental.pallas import tpu_sc as plsc

_NW = 32
_BB = 128
_LC = 8


def _gather_kernel(nb, nl, ne):
  per_w = nb // _NW
  nblk = per_w // _BB
  nlc = nl // _LC
  cn = _BB * _LC
  mesh = plsc.VectorSubcoreMesh(core_axis_name="c", subcore_axis_name="s")

  @functools.partial(
      pl.kernel,
      mesh=mesh,
      out_type=jax.ShapeDtypeStruct((ne, nl, nb), jnp.float32),
      scratch_types=[
          pltpu.VMEM((_BB, nl), jnp.int32),
          pltpu.VMEM((cn,), jnp.int32),
          pltpu.VMEM((cn,), jnp.int32),
          pltpu.VMEM((cn,), jnp.int32),
          pltpu.VMEM((2 * cn, 8), jnp.float32),
          pltpu.VMEM((ne, _LC, _BB), jnp.float32),
          pltpu.SemaphoreType.DMA,
          pltpu.SemaphoreType.DMA,
      ],
      compiler_params=pltpu.CompilerParams(
          use_tc_tiling_on_sc=False, needs_layout_passes=False),
  )
  def k(idx_hbm, tab8_hbm, out_hbm, idx_v, q0_v, q1_v, off_v, rows_v,
        comp_v, gsem, osem):
    nc = lax.axis_size("c")
    wid = lax.axis_index("s") * nc + lax.axis_index("c")
    b_base = wid * per_w
    iota = lax.iota(jnp.int32, 16)

    def blk(ib, carry):
      b0 = b_base + ib * _BB
      pltpu.sync_copy(idx_hbm.at[pl.ds(b0, _BB)], idx_v)

      def unit(il, carry):
        l0 = il * _LC

        def vecs(u, carry):
          m = u * 16 + iota
          i = plsc.load_gather(idx_v, [m >> 3, l0 + (m & 7)])
          q0 = i + (i >> 2)
          q0_v[pl.ds(u * 16, 16)] = q0
          q1_v[pl.ds(u * 16, 16)] = q0 + 1
          off_v[pl.ds(u * 16, 16)] = (i & 3) * 2
          return carry
        lax.fori_loop(0, cn // 16, vecs, 0)

        for j in range(cn // _BB):
          pltpu.async_copy(tab8_hbm.at[q0_v.at[pl.ds(j * _BB, _BB)]],
                           rows_v.at[pl.ds(j * _BB, _BB)], gsem)
          pltpu.async_copy(tab8_hbm.at[q1_v.at[pl.ds(j * _BB, _BB)]],
                           rows_v.at[pl.ds(cn + j * _BB, _BB)], gsem)
        for j in range(cn // _BB):
          pltpu.make_async_copy(tab8_hbm.at[q0_v.at[pl.ds(j * _BB, _BB)]],
                                rows_v.at[pl.ds(j * _BB, _BB)], gsem).wait()
          pltpu.make_async_copy(tab8_hbm.at[q1_v.at[pl.ds(j * _BB, _BB)]],
                                rows_v.at[pl.ds(cn + j * _BB, _BB)], gsem).wait()

        def comp(z, carry):
          l_in = z >> 3
          b_sub = z & 7
          m_vec = (b_sub * 16 + iota) * _LC + l_in
          off16 = plsc.load_gather(off_v, [m_vec])
          for e in range(ne):
            t = off16 + e
            vals = plsc.load_gather(rows_v, [m_vec + (t >> 3) * cn, t & 7])
            comp_v[e, l_in, pl.ds(b_sub * 16, 16)] = vals
          return carry
        lax.fori_loop(0, _LC * _BB // 16, comp, 0)

        pltpu.async_copy(
            comp_v,
            out_hbm.at[:, pl.ds(l0, _LC), pl.ds(b0, _BB)], osem)
        pltpu.make_async_copy(
            comp_v,
            out_hbm.at[:, pl.ds(l0, _LC), pl.ds(b0, _BB)], osem).wait()
        return carry

      lax.fori_loop(0, nlc, unit, 0)
      return carry

    lax.fori_loop(0, nblk, blk, 0)

  return k


def kernel(batch, table):
  b, l = batch.shape
  vocab, embed = table.shape
  tab8 = table.reshape(vocab * embed // 8, 8)
  out_t = _gather_kernel(b, l, embed)(batch.astype(jnp.int32), tab8)
  return jnp.transpose(out_t, (2, 1, 0))

# --- scband reference (transcript-rebuilt; emitter-appended) ---
"""Pipeline reference for scband-rand-embed-24970939859413 (READ-ONLY COPY).

The authoritative reference and input builder live on the scoring server;
editing this copy changes nothing except your own understanding.
"""

import jax, jax.numpy as jnp
import numpy as np

VOCAB = 1000000
EMBED = 10
B = 16384
L = 200

def setup_inputs(seed: int = 0) -> dict:
    key = jax.random.key(seed)
    k1, k2 = jax.random.split(key)
    batch = jax.random.randint(k1, (B, L), 0, VOCAB, dtype=jnp.int64)
    # nn.Embedding.from_pretrained(torch.rand(vocab, embed)) -> uniform [0,1)
    table = jax.random.uniform(k2, (VOCAB, EMBED), dtype=jnp.float32)
    return {"batch": batch, "table": table}

def reference(batch, table):
    # embedding lookup: gather rows of the table
    return jnp.take(table, batch, axis=0)

if __name__ == "__main__":
    import jax
    _d = setup_inputs()
    print(jax.jit(kernel)(*tuple(_d.values())))

</pallas_src>

<mosaic_0001>
#map = affine_map<(d0, d1) -> (0, 0)>
#map1 = affine_map<(d0, d1) -> (0, 0, 0)>
module attributes {stable_mosaic.version = 14 : i64} {
  func.func @k(%arg0: i32, %arg1: i32, %arg2: memref<16384x200xi32, #tpu.memory_space<hbm>>, %arg3: memref<1250000x8xf32, #tpu.memory_space<hbm>>, %arg4: memref<10x200x16384xf32, #tpu.memory_space<hbm>>, %arg5: memref<128x200xi32, #tpu.memory_space<vmem>>, %arg6: memref<1024xi32, #tpu.memory_space<vmem>>, %arg7: memref<1024xi32, #tpu.memory_space<vmem>>, %arg8: memref<1024xi32, #tpu.memory_space<vmem>>, %arg9: memref<2048x8xf32, #tpu.memory_space<vmem>>, %arg10: memref<10x8x128xf32, #tpu.memory_space<vmem>>, %arg11: memref<!tpu.dma_semaphore, #tpu.memory_space<semaphore_mem>>, %arg12: memref<!tpu.dma_semaphore, #tpu.memory_space<semaphore_mem>>) attributes {dimension_semantics = [#tpu.dimension_semantics<core_parallel>, #tpu.dimension_semantics<subcore_parallel>], iteration_bounds = array<i64: 2, 16>, scalar_prefetch = 0 : i64, scratch_operands = 8 : i64, tpu.core_type = #tpu.core_type<sc_vector_subcore>, window_params = [{transform_indices = #map}, {transform_indices = #map}, {transform_indices = #map1}]} {
    %mul3A = arith.constant 2 : i32
    %mul3A_0 = arith.muli %arg1, %mul3A : i32
    %add3A = arith.addi %mul3A_0, %arg0 : i32
    %mul3A_1 = arith.constant 512 : i32
    %mul3A_2 = arith.muli %add3A, %mul3A_1 : i32
    %iota3A = tpu.iota {dimensions = array<i32: 0>} : vector<16xi32>
    %scan3A = arith.constant 0 : i32
    %scan3A_3 = arith.constant 0 : i32
    %scan3A_4 = arith.constant 4 : i32
    %scan3A_5 = arith.addi %scan3A_3, %scan3A_4 : i32
    %scan3A_6 = arith.constant 1 : i32
    scf.for %scan3A_8 = %scan3A_3 to %scan3A_5 step %scan3A_6  : i32 {
      %mul3A_9 = arith.constant 128 : i32
      %mul3A_10 = arith.muli %scan3A_8, %mul3A_9 : i32
      %add3A_11 = arith.addi %mul3A_2, %mul3A_10 : i32
      "tpu.region"() ({
        %run_scoped3A = tpu.sem_alloc : memref<!tpu.dma_semaphore, #tpu.memory_space<semaphore_mem>>
        %dma_start3A = arith.constant 0 : i32
        %dma_start3A_18 = tpu.memref_slice %arg2[%add3A_11, %dma_start3A] : memref<16384x200xi32, #tpu.memory_space<hbm>> -> memref<128x200xi32, #tpu.memory_space<hbm>>
        %dma_start3A_19 = arith.constant 0 : i32
        %dma_start3A_20 = tpu.memref_slice %arg2[%add3A_11, %dma_start3A_19] : memref<16384x200xi32, #tpu.memory_space<hbm>> -> memref<128x200xi32, #tpu.memory_space<hbm>>
        tpu.enqueue_dma source(%dma_start3A_20 : memref<128x200xi32, #tpu.memory_space<hbm>>) target(%arg5 : memref<128x200xi32, #tpu.memory_space<vmem>>) target_semaphore(%run_scoped3A : memref<!tpu.dma_semaphore, #tpu.memory_space<semaphore_mem>>)
        %dma_wait3A = arith.constant 0 : i32
        %dma_wait3A_21 = tpu.memref_slice %arg2[%add3A_11, %dma_wait3A] : memref<16384x200xi32, #tpu.memory_space<hbm>> -> memref<128x200xi32, #tpu.memory_space<hbm>>
        %dma_wait3A_22 = arith.constant 0 : i32
        %dma_wait3A_23 = tpu.memref_slice %arg2[%add3A_11, %dma_wait3A_22] : memref<16384x200xi32, #tpu.memory_space<hbm>> -> memref<128x200xi32, #tpu.memory_space<hbm>>
        tpu.wait_dma2 semaphore(%run_scoped3A : memref<!tpu.dma_semaphore, #tpu.memory_space<semaphore_mem>>) src(%dma_wait3A_23 : memref<128x200xi32, #tpu.memory_space<hbm>>) dst(%arg5 : memref<128x200xi32, #tpu.memory_space<vmem>>)
        tpu.yield
      }) : () -> ()
      %scan3A_12 = arith.constant 0 : i32
      %scan3A_13 = arith.constant 0 : i32
      %scan3A_14 = arith.constant 25 : i32
      %scan3A_15 = arith.addi %scan3A_13, %scan3A_14 : i32
      %scan3A_16 = arith.constant 1 : i32
      scf.for %scan3A_18 = %scan3A_13 to %scan3A_15 step %scan3A_16  : i32 {
        %mul3A_19 = arith.constant 8 : i32
        %mul3A_20 = arith.muli %scan3A_18, %mul3A_19 : i32
        %scan3A_21 = arith.constant 0 : i32
        %scan3A_22 = arith.constant 0 : i32
        %scan3A_23 = arith.constant 64 : i32
        %scan3A_24 = arith.addi %scan3A_22, %scan3A_23 : i32
        %scan3A_25 = arith.constant 1 : i32
        scf.for %scan3A_295 = %scan3A_22 to %scan3A_24 step %scan3A_25  : i32 {
          %mul3A_296 = arith.constant 16 : i32
          %mul3A_297 = arith.muli %scan3A_295, %mul3A_296 : i32
          %add3A_298 = vector.broadcast %mul3A_297 : i32 to vector<16xi32>
          %add3A_299 = arith.addi %add3A_298, %iota3A : vector<16xi32>
          %shift_right_arithmetic3A = arith.constant 3 : i32
          %shift_right_arithmetic3A_300 = vector.broadcast %shift_right_arithmetic3A : i32 to vector<16xi32>
          %shift_right_arithmetic3A_301 = arith.shrsi %add3A_299, %shift_right_arithmetic3A_300 : vector<16xi32>
          %and3A = arith.constant 7 : i32
          %and3A_302 = vector.broadcast %and3A : i32 to vector<16xi32>
          %and3A_303 = arith.andi %add3A_299, %and3A_302 : vector<16xi32>
          %add3A_304 = vector.broadcast %mul3A_20 : i32 to vector<16xi32>
          %add3A_305 = arith.addi %add3A_304, %and3A_303 : vector<16xi32>
          %gather3A = tpu.vector_load_idx %arg5[%shift_right_arithmetic3A_301, %add3A_305] : memref<128x200xi32, #tpu.memory_space<vmem>>[vector<16xi32>, vector<16xi32>], vector<16xi32>,
          %shift_right_arithmetic3A_306 = arith.constant 2 : i32
          %shift_right_arithmetic3A_307 = vector.broadcast %shift_right_arithmetic3A_306 : i32 to vector<16xi32>
          %shift_right_arithmetic3A_308 = arith.shrsi %gather3A, %shift_right_arithmetic3A_307 : vector<16xi32>
          %add3A_309 = arith.addi %gather3A, %shift_right_arithmetic3A_308 : vector<16xi32>
          %mul3A_310 = arith.constant 16 : i32
          %mul3A_311 = arith.muli %scan3A_295, %mul3A_310 : i32
          %swap3A = arith.index_cast %mul3A_311 : i32 to index
          %swap3A_312 = tpu.vector_load %arg6[%swap3A] {strides = array<i32>} : memref<1024xi32, #tpu.memory_space<vmem>>, vector<16xi32>,
          tpu.vector_store %arg6[%swap3A], %add3A_309 {strides = array<i32>} : memref<1024xi32, #tpu.memory_space<vmem>>, vector<16xi32>,
          %add3A_313 = arith.constant 1 : i32
          %add3A_314 = vector.broadcast %add3A_313 : i32 to vector<16xi32>
          %add3A_315 = arith.addi %add3A_309, %add3A_314 : vector<16xi32>
          %mul3A_316 = arith.constant 16 : i32
          %mul3A_317 = arith.muli %scan3A_295, %mul3A_316 : i32
          %swap3A_318 = arith.index_cast %mul3A_317 : i32 to index
          %swap3A_319 = tpu.vector_load %arg7[%swap3A_318] {strides = array<i32>} : memref<1024xi32, #tpu.memory_space<vmem>>, vector<16xi32>,
          tpu.vector_store %arg7[%swap3A_318], %add3A_315 {strides = array<i32>} : memref<1024xi32, #tpu.memory_space<vmem>>, vector<16xi32>,
          %and3A_320 = arith.constant 3 : i32
          %and3A_321 = vector.broadcast %and3A_320 : i32 to vector<16xi32>
          %and3A_322 = arith.andi %gather3A, %and3A_321 : vector<16xi32>
          %mul3A_323 = arith.constant 2 : i32
          %mul3A_324 = vector.broadcast %mul3A_323 : i32 to vector<16xi32>
          %mul3A_325 = arith.muli %and3A_322, %mul3A_324 : vector<16xi32>
          %mul3A_326 = arith.constant 16 : i32
          %mul3A_327 = arith.muli %scan3A_295, %mul3A_326 : i32
          %swap3A_328 = arith.index_cast %mul3A_327 : i32 to index
          %swap3A_329 = tpu.vector_load %arg8[%swap3A_328] {strides = array<i32>} : memref<1024xi32, #tpu.memory_space<vmem>>, vector<16xi32>,
          tpu.vector_store %arg8[%swap3A_328], %mul3A_325 {strides = array<i32>} : memref<1024xi32, #tpu.memory_space<vmem>>, vector<16xi32>,
        }
        %scan3A_26 = arith.constant 64 : i32
        %dma_start3A = arith.constant 0 : i32
        %dma_start3A_27 = arith.constant 0 : i32
        %dma_start3A_28 = tpu.memref_slice %arg9[%dma_start3A, %dma_start3A_27] : memref<2048x8xf32, #tpu.memory_space<vmem>> -> memref<128x8xf32, #tpu.memory_space<vmem>>
        %dma_start3A_29 = arith.constant 0 : i32
        %dma_start3A_30 = tpu.memref_slice %arg6[%dma_start3A_29] : memref<1024xi32, #tpu.memory_space<vmem>> -> memref<128xi32, #tpu.memory_space<vmem>>
        %dma_start3A_31 = arith.constant 0 : i32
        %dma_start3A_32 = arith.constant 0 : i32
        %dma_start3A_33 = tpu.memref_slice %arg3[%dma_start3A_31, %dma_start3A_32] : memref<1250000x8xf32, #tpu.memory_space<hbm>> -> memref<1250000x8xf32, #tpu.memory_space<hbm>>
        tpu.enqueue_indirect_dma source(%dma_start3A_33 : memref<1250000x8xf32, #tpu.memory_space<hbm>>) target(%dma_start3A_28 : memref<128x8xf32, #tpu.memory_space<vmem>>) offsets(%dma_start3A_30 : memref<128xi32, #tpu.memory_space<vmem>>) semaphore(%arg11 : memref<!tpu.dma_semaphore, #tpu.memory_space<semaphore_mem>>)
        %dma_start3A_34 = arith.constant 1024 : i32
        %dma_start3A_35 = arith.constant 0 : i32
        %dma_start3A_36 = tpu.memref_slice %arg9[%dma_start3A_34, %dma_start3A_35] : memref<2048x8xf32, #tpu.memory_space<vmem>> -> memref<128x8xf32, #tpu.memory_space<vmem>>
        %dma_start3A_37 = arith.constant 0 : i32
        %dma_start3A_38 = tpu.memref_slice %arg7[%dma_start3A_37] : memref<1024xi32, #tpu.memory_space<vmem>> -> memref<128xi32, #tpu.memory_space<vmem>>
        %dma_start3A_39 = arith.constant 0 : i32
        %dma_start3A_40 = arith.constant 0 : i32
        %dma_start3A_41 = tpu.memref_slice %arg3[%dma_start3A_39, %dma_start3A_40] : memref<1250000x8xf32, #tpu.memory_space<hbm>> -> memref<1250000x8xf32, #tpu.memory_space<hbm>>
        tpu.enqueue_indirect_dma source(%dma_start3A_41 : memref<1250000x8xf32, #tpu.memory_space<hbm>>) target(%dma_start3A_36 : memref<128x8xf32, #tpu.memory_space<vmem>>) offsets(%dma_start3A_38 : memref<128xi32, #tpu.memory_space<vmem>>) semaphore(%arg11 : memref<!tpu.dma_semaphore, #tpu.memory_space<semaphore_mem>>)
        %dma_start3A_42 = arith.constant 128 : i32
        %dma_start3A_43 = arith.constant 0 : i32
        %dma_start3A_44 = tpu.memref_slice %arg9[%dma_start3A_42, %dma_start3A_43] : memref<2048x8xf32, #tpu.memory_space<vmem>> -> memref<128x8xf32, #tpu.memory_space<vmem>>
        %dma_start3A_45 = arith.constant 128 : i32
        %dma_start3A_46 = tpu.memref_slice %arg6[%dma_start3A_45] : memref<1024xi32, #tpu.memory_space<vmem>> -> memref<128xi32, #tpu.memory_space<vmem>>
        %dma_start3A_47 = arith.constant 0 : i32
        %dma_start3A_48 = arith.constant 0 : i32
        %dma_start3A_49 = tpu.memref_slice %arg3[%dma_start3A_47, %dma_start3A_48] : memref<1250000x8xf32, #tpu.memory_space<hbm>> -> memref<1250000x8xf32, #tpu.memory_space<hbm>>
        tpu.enqueue_indirect_dma source(%dma_start3A_49 : memref<1250000x8xf32, #tpu.memory_space<hbm>>) target(%dma_start3A_44 : memref<128x8xf32, #tpu.memory_space<vmem>>) offsets(%dma_start3A_46 : memref<128xi32, #tpu.memory_space<vmem>>) semaphore(%arg11 : memref<!tpu.dma_semaphore, #tpu.memory_space<semaphore_mem>>)
        %dma_start3A_50 = arith.constant 1152 : i32
        %dma_start3A_51 = arith.constant 0 : i32
        %dma_start3A_52 = tpu.memref_slice %arg9[%dma_start3A_50, %dma_start3A_51] : memref<2048x8xf32, #tpu.memory_space<vmem>> -> memref<128x8xf32, #tpu.memory_space<vmem>>
        %dma_start3A_53 = arith.constant 128 : i32
        %dma_start3A_54 = tpu.memref_slice %arg7[%dma_start3A_53] : memref<1024xi32, #tpu.memory_space<vmem>> -> memref<128xi32, #tpu.memory_space<vmem>>
        %dma_start3A_55 = arith.constant 0 : i32
        %dma_start3A_56 = arith.constant 0 : i32
        %dma_start3A_57 = tpu.memref_slice %arg3[%dma_start3A_55, %dma_start3A_56] : memref<1250000x8xf32, #tpu.memory_space<hbm>> -> memref<1250000x8xf32, #tpu.memory_space<hbm>>
        tpu.enqueue_indirect_dma source(%dma_start3A_57 : memref<1250000x8xf32, #tpu.memory_space<hbm>>) target(%dma_start3A_52 : memref<128x8xf32, #tpu.memory_space<vmem>>) offsets(%dma_start3A_54 : memref<128xi32, #tpu.memory_space<vmem>>) semaphore(%arg11 : memref<!tpu.dma_semaphore, #tpu.memory_space<semaphore_mem>>)
        %dma_start3A_58 = arith.constant 256 : i32
        %dma_start3A_59 = arith.constant 0 : i32
        %dma_start3A_60 = tpu.memref_slice %arg9[%dma_start3A_58, %dma_start3A_59] : memref<2048x8xf32, #tpu.memory_space<vmem>> -> memref<128x8xf32, #tpu.memory_space<vmem>>
        %dma_start3A_61 = arith.constant 256 : i32
        %dma_start3A_62 = tpu.memref_slice %arg6[%dma_start3A_61] : memref<1024xi32, #tpu.memory_space<vmem>> -> memref<128xi32, #tpu.memory_space<vmem>>
        %dma_start3A_63 = arith.constant 0 : i32
        %dma_start3A_64 = arith.constant 0 : i32
        %dma_start3A_65 = tpu.memref_slice %arg3[%dma_start3A_63, %dma_start3A_64] : memref<1250000x8xf32, #tpu.memory_space<hbm>> -> memref<1250000x8xf32, #tpu.memory_space<hbm>>
        tpu.enqueue_indirect_dma source(%dma_start3A_65 : memref<1250000x8xf32, #tpu.memory_space<hbm>>) target(%dma_start3A_60 : memref<128x8xf32, #tpu.memory_space<vmem>>) offsets(%dma_start3A_62 : memref<128xi32, #tpu.memory_space<vmem>>) semaphore(%arg11 : memref<!tpu.dma_semaphore, #tpu.memory_space<semaphore_mem>>)
        %dma_start3A_66 = arith.constant 1280 : i32
        %dma_start3A_67 = arith.constant 0 : i32
        %dma_start3A_68 = tpu.memref_slice %arg9[%dma_start3A_66, %dma_start3A_67] : memref<2048x8xf32, #tpu.memory_space<vmem>> -> memref<128x8xf32, #tpu.memory_space<vmem>>
        %dma_start3A_69 = arith.constant 256 : i32
        %dma_start3A_70 = tpu.memref_slice %arg7[%dma_start3A_69] : memref<1024xi32, #tpu.memory_space<vmem>> -> memref<128xi32, #tpu.memory_space<vmem>>
        %dma_start3A_71 = arith.constant 0 : i32
        %dma_start3A_72 = arith.constant 0 : i32
        %dma_start3A_73 = tpu.memref_slice %arg3[%dma_start3A_71, %dma_start3A_72] : memref<1250000x8xf32, #tpu.memory_space<hbm>> -> memref<1250000x8xf32, #tpu.memory_space<hbm>>
        tpu.enqueue_indirect_dma source(%dma_start3A_73 : memref<1250000x8xf32, #tpu.memory_space<hbm>>) target(%dma_start3A_68 : memref<128x8xf32, #tpu.memory_space<vmem>>) offsets(%dma_start3A_70 : memref<128xi32, #tpu.memory_space<vmem>>) semaphore(%arg11 : memref<!tpu.dma_semaphore, #tpu.memory_space<semaphore_mem>>)
        %dma_start3A_74 = arith.constant 384 : i32
        %dma_start3A_75 = arith.constant 0 : i32
        %dma_start3A_76 = tpu.memref_slice %arg9[%dma_start3A_74, %dma_start3A_75] : memref<2048x8xf32, #tpu.memory_space<vmem>> -> memref<128x8xf32, #tpu.memory_space<vmem>>
        %dma_start3A_77 = arith.constant 384 : i32
        %dma_start3A_78 = tpu.memref_slice %arg6[%dma_start3A_77] : memref<1024xi32, #tpu.memory_space<vmem>> -> memref<128xi32, #tpu.memory_space<vmem>>
        %dma_start3A_79 = arith.constant 0 : i32
        %dma_start3A_80 = arith.constant 0 : i32
        %dma_start3A_81 = tpu.memref_slice %arg3[%dma_start3A_79, %dma_start3A_80] : memref<1250000x8xf32, #tpu.memory_space<hbm>> -> memref<1250000x8xf32, #tpu.memory_space<hbm>>
        tpu.enqueue_indirect_dma source(%dma_start3A_81 : memref<1250000x8xf32, #tpu.memory_space<hbm>>) target(%dma_start3A_76 : memref<128x8xf32, #tpu.memory_space<vmem>>) offsets(%dma_start3A_78 : memref<128xi32, #tpu.memory_space<vmem>>) semaphore(%arg11 : memref<!tpu.dma_semaphore, #tpu.memory_space<semaphore_mem>>)
        %dma_start3A_82 = arith.constant 1408 : i32
        %dma_start3A_83 = arith.constant 0 : i32
        %dma_start3A_84 = tpu.memref_slice %arg9[%dma_start3A_82, %dma_start3A_83] : memref<2048x8xf32, #tpu.memory_space<vmem>> -> memref<128x8xf32, #tpu.memory_space<vmem>>
        %dma_start3A_85 = arith.constant 384 : i32
        %dma_start3A_86 = tpu.memref_slice %arg7[%dma_start3A_85] : memref<1024xi32, #tpu.memory_space<vmem>> -> memref<128xi32, #tpu.memory_space<vmem>>
        %dma_start3A_87 = arith.constant 0 : i32
        %dma_start3A_88 = arith.constant 0 : i32
        %dma_start3A_89 = tpu.memref_slice %arg3[%dma_start3A_87, %dma_start3A_88] : memref<1250000x8xf32, #tpu.memory_space<hbm>> -> memref<1250000x8xf32, #tpu.memory_space<hbm>>
        tpu.enqueue_indirect_dma source(%dma_start3A_89 : memref<1250000x8xf32, #tpu.memory_space<hbm>>) target(%dma_start3A_84 : memref<128x8xf32, #tpu.memory_space<vmem>>) offsets(%dma_start3A_86 : memref<128xi32, #tpu.memory_space<vmem>>) semaphore(%arg11 : memref<!tpu.dma_semaphore, #tpu.memory_space<semaphore_mem>>)
        %dma_start3A_90 = arith.constant 512 : i32
        %dma_start3A_91 = arith.constant 0 : i32
        %dma_start3A_92 = tpu.memref_slice %arg9[%dma_start3A_90, %dma_start3A_91] : memref<2048x8xf32, #tpu.memory_space<vmem>> -> memref<128x8xf32, #tpu.memory_space<vmem>>
        %dma_start3A_93 = arith.constant 512 : i32
        %dma_start3A_94 = tpu.memref_slice %arg6[%dma_start3A_93] : memref<1024xi32, #tpu.memory_space<vmem>> -> memref<128xi32, #tpu.memory_space<vmem>>
        %dma_start3A_95 = arith.constant 0 : i32
        %dma_start3A_96 = arith.constant 0 : i32
        %dma_start3A_97 = tpu.memref_slice %arg3[%dma_start3A_95, %dma_start3A_96] : memref<1250000x8xf32, #tpu.memory_space<hbm>> -> memref<1250000x8xf32, #tpu.memory_space<hbm>>
        tpu.enqueue_indirect_dma source(%dma_start3A_97 : memref<1250000x8xf32, #tpu.memory_space<hbm>>) target(%dma_start3A_92 : memref<128x8xf32, #tpu.memory_space<vmem>>) offsets(%dma_start3A_94 : memref<128xi32, #tpu.memory_space<vmem>>) semaphore(%arg11 : memref<!tpu.dma_semaphore, #tpu.memory_space<semaphore_mem>>)
        %dma_start3A_98 = arith.constant 1536 : i32
        %dma_start3A_99 = arith.constant 0 : i32
        %dma_start3A_100 = tpu.memref_slice %arg9[%dma_start3A_98, %dma_start3A_99] : memref<2048x8xf32, #tpu.memory_space<vmem>> -> memref<128x8xf32, #tpu.memory_space<vmem>>
        %dma_start3A_101 = arith.constant 512 : i32
        %dma_start3A_102 = tpu.memref_slice %arg7[%dma_start3A_101] : memref<1024xi32, #tpu.memory_space<vmem>> -> memref<128xi32, #tpu.memory_space<vmem>>
        %dma_start3A_103 = arith.constant 0 : i32
        %dma_start3A_104 = arith.constant 0 : i32
        %dma_start3A_105 = tpu.memref_slice %arg3[%dma_start3A_103, %dma_start3A_104] : memref<1250000x8xf32, #tpu.memory_space<hbm>> -> memref<1250000x8xf32, #tpu.memory_space<hbm>>
        tpu.enqueue_indirect_dma source(%dma_start3A_105 : memref<1250000x8xf32, #tpu.memory_space<hbm>>) target(%dma_start3A_100 : memref<128x8xf32, #tpu.memory_space<vmem>>) offsets(%dma_start3A_102 : memref<128xi32, #tpu.memory_space<vmem>>) semaphore(%arg11 : memref<!tpu.dma_semaphore, #tpu.memory_space<semaphore_mem>>)
        %dma_start3A_106 = arith.constant 640 : i32
        %dma_start3A_107 = arith.constant 0 : i32
        %dma_start3A_108 = tpu.memref_slice %arg9[%dma_start3A_106, %dma_start3A_107] : memref<2048x8xf32, #tpu.memory_space<vmem>> -> memref<128x8xf32, #tpu.memory_space<vmem>>
        %dma_start3A_109 = arith.constant 640 : i32
        %dma_start3A_110 = tpu.memref_slice %arg6[%dma_start3A_109] : memref<1024xi32, #tpu.memory_space<vmem>> -> memref<128xi32, #tpu.memory_space<vmem>>
        %dma_start3A_111 = arith.constant 0 : i32
        %dma_start3A_112 = arith.constant 0 : i32
        %dma_start3A_113 = tpu.memref_slice %arg3[%dma_start3A_111, %dma_start3A_112] : memref<1250000x8xf32, #tpu.memory_space<hbm>> -> memref<1250000x8xf32, #tpu.memory_space<hbm>>
        tpu.enqueue_indirect_dma source(%dma_start3A_113 : memref<1250000x8xf32, #tpu.memory_space<hbm>>) target(%dma_start3A_108 : memref<128x8xf32, #tpu.memory_space<vmem>>) offsets(%dma_start3A_110 : memref<128xi32, #tpu.memory_space<vmem>>) semaphore(%arg11 : memref<!tpu.dma_semaphore, #tpu.memory_space<semaphore_mem>>)
        %dma_start3A_114 = arith.constant 1664 : i32
        %dma_start3A_115 = arith.constant 0 : i32
        %dma_start3A_116 = tpu.memref_slice %arg9[%dma_start3A_114, %dma_start3A_115] : memref<2048x8xf32, #tpu.memory_space<vmem>> -> memref<128x8xf32, #tpu.memory_space<vmem>>
        %dma_start3A_117 = arith.constant 640 : i32
        %dma_start3A_118 = tpu.memref_slice %arg7[%dma_start3A_117] : memref<1024xi32, #tpu.memory_space<vmem>> -> memref<128xi32, #tpu.memory_space<vmem>>
        %dma_start3A_119 = arith.constant 0 : i32
        %dma_start3A_120 = arith.constant 0 : i32
        %dma_start3A_121 = tpu.memref_slice %arg3[%dma_start3A_119, %dma_start3A_120] : memref<1250000x8xf32, #tpu.memory_space<hbm>> -> memref<1250000x8xf32, #tpu.memory_space<hbm>>
        tpu.enqueue_indirect_dma source(%dma_start3A_121 : memref<1250000x8xf32, #tpu.memory_space<hbm>>) target(%dma_start3A_116 : memref<128x8xf32, #tpu.memory_space<vmem>>) offsets(%dma_start3A_118 : memref<128xi32, #tpu.memory_space<vmem>>) semaphore(%arg11 : memref<!tpu.dma_semaphore, #tpu.memory_space<semaphore_mem>>)
        %dma_start3A_122 = arith.constant 768 : i32
        %dma_start3A_123 = arith.constant 0 : i32
        %dma_start3A_124 = tpu.memref_slice %arg9[%dma_start3A_122, %dma_start3A_123] : memref<2048x8xf32, #tpu.memory_space<vmem>> -> memref<128x8xf32, #tpu.memory_space<vmem>>
        %dma_start3A_125 = arith.constant 768 : i32
        %dma_start3A_126 = tpu.memref_slice %arg6[%dma_start3A_125] : memref<1024xi32, #tpu.memory_space<vmem>> -> memref<128xi32, #tpu.memory_space<vmem>>
        %dma_start3A_127 = arith.constant 0 : i32
        %dma_start3A_128 = arith.constant 0 : i32
        %dma_start3A_129 = tpu.memref_slice %arg3[%dma_start3A_127, %dma_start3A_128] : memref<1250000x8xf32, #tpu.memory_space<hbm>> -> memref<1250000x8xf32, #tpu.memory_space<hbm>>
        tpu.enqueue_indirect_dma source(%dma_start3A_129 : memref<1250000x8xf32, #tpu.memory_space<hbm>>) target(%dma_start3A_124 : memref<128x8xf32, #tpu.memory_space<vmem>>) offsets(%dma_start3A_126 : memref<128xi32, #tpu.memory_space<vmem>>) semaphore(%arg11 : memref<!tpu.dma_semaphore, #tpu.memory_space<semaphore_mem>>)
        %dma_start3A_130 = arith.constant 1792 : i32
        %dma_start3A_131 = arith.constant 0 : i32
        %dma_start3A_132 = tpu.memref_slice %arg9[%dma_start3A_130, %dma_start3A_131] : memref<2048x8xf32, #tpu.memory_space<vmem>> -> memref<128x8xf32, #tpu.memory_space<vmem>>
        %dma_start3A_133 = arith.constant 768 : i32
        %dma_start3A_134 = tpu.memref_slice %arg7[%dma_start3A_133] : memref<1024xi32, #tpu.memory_space<vmem>> -> memref<128xi32, #tpu.memory_space<vmem>>
        %dma_start3A_135 = arith.constant 0 : i32
        %dma_start3A_136 = arith.constant 0 : i32
        %dma_start3A_137 = tpu.memref_slice %arg3[%dma_start3A_135, %dma_start3A_136] : memref<1250000x8xf32, #tpu.memory_space<hbm>> -> memref<1250000x8xf32, #tpu.memory_space<hbm>>
        tpu.enqueue_indirect_dma source(%dma_start3A_137 : memref<1250000x8xf32, #tpu.memory_space<hbm>>) target(%dma_start3A_132 : memref<128x8xf32, #tpu.memory_space<vmem>>) offsets(%dma_start3A_134 : memref<128xi32, #tpu.memory_space<vmem>>) semaphore(%arg11 : memref<!tpu.dma_semaphore, #tpu.memory_space<semaphore_mem>>)
        %dma_start3A_138 = arith.constant 896 : i32
        %dma_start3A_139 = arith.constant 0 : i32
        %dma_start3A_140 = tpu.memref_slice %arg9[%dma_start3A_138, %dma_start3A_139] : memref<2048x8xf32, #tpu.memory_space<vmem>> -> memref<128x8xf32, #tpu.memory_space<vmem>>
        %dma_start3A_141 = arith.constant 896 : i32
        %dma_start3A_142 = tpu.memref_slice %arg6[%dma_start3A_141] : memref<1024xi32, #tpu.memory_space<vmem>> -> memref<128xi32, #tpu.memory_space<vmem>>
        %dma_start3A_143 = arith.constant 0 : i32
        %dma_start3A_144 = arith.constant 0 : i32
        %dma_start3A_145 = tpu.memref_slice %arg3[%dma_start3A_143, %dma_start3A_144] : memref<1250000x8xf32, #tpu.memory_space<hbm>> -> memref<1250000x8xf32, #tpu.memory_space<hbm>>
        tpu.enqueue_indirect_dma source(%dma_start3A_145 : memref<1250000x8xf32, #tpu.memory_space<hbm>>) target(%dma_start3A_140 : memref<128x8xf32, #tpu.memory_space<vmem>>) offsets(%dma_start3A_142 : memref<128xi32, #tpu.memory_space<vmem>>) semaphore(%arg11 : memref<!tpu.dma_semaphore, #tpu.memory_space<semaphore_mem>>)
        %dma_start3A_146 = arith.constant 1920 : i32
        %dma_start3A_147 = arith.constant 0 : i32
        %dma_start3A_148 = tpu.memref_slice %arg9[%dma_start3A_146, %dma_start3A_147] : memref<2048x8xf32, #tpu.memory_space<vmem>> -> memref<128x8xf32, #tpu.memory_space<vmem>>
        %dma_start3A_149 = arith.constant 896 : i32
        %dma_start3A_150 = tpu.memref_slice %arg7[%dma_start3A_149] : memref<1024xi32, #tpu.memory_space<vmem>> -> memref<128xi32, #tpu.memory_space<vmem>>
        %dma_start3A_151 = arith.constant 0 : i32
        %dma_start3A_152 = arith.constant 0 : i32
        %dma_start3A_153 = tpu.memref_slice %arg3[%dma_start3A_151, %dma_start3A_152] : memref<1250000x8xf32, #tpu.memory_space<hbm>> -> memref<1250000x8xf32, #tpu.memory_space<hbm>>
        tpu.enqueue_indirect_dma source(%dma_start3A_153 : memref<1250000x8xf32, #tpu.memory_space<hbm>>) target(%dma_start3A_148 : memref<128x8xf32, #tpu.memory_space<vmem>>) offsets(%dma_start3A_150 : memref<128xi32, #tpu.memory_space<vmem>>) semaphore(%arg11 : memref<!tpu.dma_semaphore, #tpu.memory_space<semaphore_mem>>)
        %dma_wait3A = arith.constant 0 : i32
        %dma_wait3A_154 = arith.constant 0 : i32
        %dma_wait3A_155 = tpu.memref_slice %arg9[%dma_wait3A, %dma_wait3A_154] : memref<2048x8xf32, #tpu.memory_space<vmem>> -> memref<128x8xf32, #tpu.memory_space<vmem>>
        %dma_wait3A_156 = arith.constant 0 : i32
        %dma_wait3A_157 = tpu.memref_slice %arg6[%dma_wait3A_156] : memref<1024xi32, #tpu.memory_space<vmem>> -> memref<128xi32, #tpu.memory_space<vmem>>
        %dma_wait3A_158 = arith.constant 0 : i32
        %dma_wait3A_159 = arith.constant 0 : i32
        %dma_wait3A_160 = tpu.memref_slice %arg3[%dma_wait3A_158, %dma_wait3A_159] : memref<1250000x8xf32, #tpu.memory_space<hbm>> -> memref<1250000x8xf32, #tpu.memory_space<hbm>>
        tpu.wait_indirect_dma semaphore(%arg11 : memref<!tpu.dma_semaphore, #tpu.memory_space<semaphore_mem>>) src(%dma_wait3A_160 : memref<1250000x8xf32, #tpu.memory_space<hbm>>) dst(%dma_wait3A_155 : memref<128x8xf32, #tpu.memory_space<vmem>>)
        %dma_wait3A_161 = arith.constant 1024 : i32
        %dma_wait3A_162 = arith.constant 0 : i32
        %dma_wait3A_163 = tpu.memref_slice %arg9[%dma_wait3A_161, %dma_wait3A_162] : memref<2048x8xf32, #tpu.memory_space<vmem>> -> memref<128x8xf32, #tpu.memory_space<vmem>>
        %dma_wait3A_164 = arith.constant 0 : i32
        %dma_wait3A_165 = tpu.memref_slice %arg7[%dma_wait3A_164] : memref<1024xi32, #tpu.memory_space<vmem>> -> memref<128xi32, #tpu.memory_space<vmem>>
        %dma_wait3A_166 = arith.constant 0 : i32
        %dma_wait3A_167 = arith.constant 0 : i32
        %dma_wait3A_168 = tpu.memref_slice %arg3[%dma_wait3A_166, %dma_wait3A_167] : memref<1250000x8xf32, #tpu.memory_space<hbm>> -> memref<1250000x8xf32, #tpu.memory_space<hbm>>
        tpu.wait_indirect_dma semaphore(%arg11 : memref<!tpu.dma_semaphore, #tpu.memory_space<semaphore_mem>>) src(%dma_wait3A_168 : memref<1250000x8xf32, #tpu.memory_space<hbm>>) dst(%dma_wait3A_163 : memref<128x8xf32, #tpu.memory_space<vmem>>)
        %dma_wait3A_169 = arith.constant 128 : i32
        %dma_wait3A_170 = arith.constant 0 : i32
        %dma_wait3A_171 = tpu.memref_slice %arg9[%dma_wait3A_169, %dma_wait3A_170] : memref<2048x8xf32, #tpu.memory_space<vmem>> -> memref<128x8xf32, #tpu.memory_space<vmem>>
        %dma_wait3A_172 = arith.constant 128 : i32
        %dma_wait3A_173 = tpu.memref_slice %arg6[%dma_wait3A_172] : memref<1024xi32, #tpu.memory_space<vmem>> -> memref<128xi32, #tpu.memory_space<vmem>>
        %dma_wait3A_174 = arith.constant 0 : i32
        %dma_wait3A_175 = arith.constant 0 : i32
        %dma_wait3A_176 = tpu.memref_slice %arg3[%dma_wait3A_174, %dma_wait3A_175] : memref<1250000x8xf32, #tpu.memory_space<hbm>> -> memref<1250000x8xf32, #tpu.memory_space<hbm>>
        tpu.wait_indirect_dma semaphore(%arg11 : memref<!tpu.dma_semaphore, #tpu.memory_space<semaphore_mem>>) src(%dma_wait3A_176 : memref<1250000x8xf32, #tpu.memory_space<hbm>>) dst(%dma_wait3A_171 : memref<128x8xf32, #tpu.memory_space<vmem>>)
        %dma_wait3A_177 = arith.constant 1152 : i32
        %dma_wait3A_178 = arith.constant 0 : i32
        %dma_wait3A_179 = tpu.memref_slice %arg9[%dma_wait3A_177, %dma_wait3A_178] : memref<2048x8xf32, #tpu.memory_space<vmem>> -> memref<128x8xf32, #tpu.memory_space<vmem>>
        %dma_wait3A_180 = arith.constant 128 : i32
        %dma_wait3A_181 = tpu.memref_slice %arg7[%dma_wait3A_180] : memref<1024xi32, #tpu.memory_space<vmem>> -> memref<128xi32, #tpu.memory_space<vmem>>
        %dma_wait3A_182 = arith.constant 0 : i32
        %dma_wait3A_183 = arith.constant 0 : i32
        %dma_wait3A_184 = tpu.memref_slice %arg3[%dma_wait3A_182, %dma_wait3A_183] : memref<1250000x8xf32, #tpu.memory_space<hbm>> -> memref<1250000x8xf32, #tpu.memory_space<hbm>>
        tpu.wait_indirect_dma semaphore(%arg11 : memref<!tpu.dma_semaphore, #tpu.memory_space<semaphore_mem>>) src(%dma_wait3A_184 : memref<1250000x8xf32, #tpu.memory_space<hbm>>) dst(%dma_wait3A_179 : memref<128x8xf32, #tpu.memory_space<vmem>>)
        %dma_wait3A_185 = arith.constant 256 : i32
        %dma_wait3A_186 = arith.constant 0 : i32
        %dma_wait3A_187 = tpu.memref_slice %arg9[%dma_wait3A_185, %dma_wait3A_186] : memref<2048x8xf32, #tpu.memory_space<vmem>> -> memref<128x8xf32, #tpu.memory_space<vmem>>
        %dma_wait3A_188 = arith.constant 256 : i32
        %dma_wait3A_189 = tpu.memref_slice %arg6[%dma_wait3A_188] : memref<1024xi32, #tpu.memory_space<vmem>> -> memref<128xi32, #tpu.memory_space<vmem>>
        %dma_wait3A_190 = arith.constant 0 : i32
        %dma_wait3A_191 = arith.constant 0 : i32
        %dma_wait3A_192 = tpu.memref_slice %arg3[%dma_wait3A_190, %dma_wait3A_191] : memref<1250000x8xf32, #tpu.memory_space<hbm>> -> memref<1250000x8xf32, #tpu.memory_space<hbm>>
        tpu.wait_indirect_dma semaphore(%arg11 : memref<!tpu.dma_semaphore, #tpu.memory_space<semaphore_mem>>) src(%dma_wait3A_192 : memref<1250000x8xf32, #tpu.memory_space<hbm>>) dst(%dma_wait3A_187 : memref<128x8xf32, #tpu.memory_space<vmem>>)
        %dma_wait3A_193 = arith.constant 1280 : i32
        %dma_wait3A_194 = arith.constant 0 : i32
        %dma_wait3A_195 = tpu.memref_slice %arg9[%dma_wait3A_193, %dma_wait3A_194] : memref<2048x8xf32, #tpu.memory_space<vmem>> -> memref<128x8xf32, #tpu.memory_space<vmem>>
        %dma_wait3A_196 = arith.constant 256 : i32
        %dma_wait3A_197 = tpu.memref_slice %arg7[%dma_wait3A_196] : memref<1024xi32, #tpu.memory_space<vmem>> -> memref<128xi32, #tpu.memory_space<vmem>>
        %dma_wait3A_198 = arith.constant 0 : i32
        %dma_wait3A_199 = arith.constant 0 : i32
        %dma_wait3A_200 = tpu.memref_slice %arg3[%dma_wait3A_198, %dma_wait3A_199] : memref<1250000x8xf32, #tpu.memory_space<hbm>> -> memref<1250000x8xf32, #tpu.memory_space<hbm>>
        tpu.wait_indirect_dma semaphore(%arg11 : memref<!tpu.dma_semaphore, #tpu.memory_space<semaphore_mem>>) src(%dma_wait3A_200 : memref<1250000x8xf32, #tpu.memory_space<hbm>>) dst(%dma_wait3A_195 : memref<128x8xf32, #tpu.memory_space<vmem>>)
        %dma_wait3A_201 = arith.constant 384 : i32
        %dma_wait3A_202 = arith.constant 0 : i32
        %dma_wait3A_203 = tpu.memref_slice %arg9[%dma_wait3A_201, %dma_wait3A_202] : memref<2048x8xf32, #tpu.memory_space<vmem>> -> memref<128x8xf32, #tpu.memory_space<vmem>>
        %dma_wait3A_204 = arith.constant 384 : i32
        %dma_wait3A_205 = tpu.memref_slice %arg6[%dma_wait3A_204] : memref<1024xi32, #tpu.memory_space<vmem>> -> memref<128xi32, #tpu.memory_space<vmem>>
        %dma_wait3A_206 = arith.constant 0 : i32
        %dma_wait3A_207 = arith.constant 0 : i32
        %dma_wait3A_208 = tpu.memref_slice %arg3[%dma_wait3A_206, %dma_wait3A_207] : memref<1250000x8xf32, #tpu.memory_space<hbm>> -> memref<1250000x8xf32, #tpu.memory_space<hbm>>
        tpu.wait_indirect_dma semaphore(%arg11 : memref<!tpu.dma_semaphore, #tpu.memory_space<semaphore_mem>>) src(%dma_wait3A_208 : memref<1250000x8xf32, #tpu.memory_space<hbm>>) dst(%dma_wait3A_203 : memref<128x8xf32, #tpu.memory_space<vmem>>)
        %dma_wait3A_209 = arith.constant 1408 : i32
        %dma_wait3A_210 = arith.constant 0 : i32
        %dma_wait3A_211 = tpu.memref_slice %arg9[%dma_wait3A_209, %dma_wait3A_210] : memref<2048x8xf32, #tpu.memory_space<vmem>> -> memref<128x8xf32, #tpu.memory_space<vmem>>
        %dma_wait3A_212 = arith.constant 384 : i32
        %dma_wait3A_213 = tpu.memref_slice %arg7[%dma_wait3A_212] : memref<1024xi32, #tpu.memory_space<vmem>> -> memref<128xi32, #tpu.memory_space<vmem>>
        %dma_wait3A_214 = arith.constant 0 : i32
        %dma_wait3A_215 = arith.constant 0 : i32
        %dma_wait3A_216 = tpu.memref_slice %arg3[%dma_wait3A_214, %dma_wait3A_215] : memref<1250000x8xf32, #tpu.memory_space<hbm>> -> memref<1250000x8xf32, #tpu.memory_space<hbm>>
        tpu.wait_indirect_dma semaphore(%arg11 : memref<!tpu.dma_semaphore, #tpu.memory_space<semaphore_mem>>) src(%dma_wait3A_216 : memref<1250000x8xf32, #tpu.memory_space<hbm>>) dst(%dma_wait3A_211 : memref<128x8xf32, #tpu.memory_space<vmem>>)
        %dma_wait3A_217 = arith.constant 512 : i32
        %dma_wait3A_218 = arith.constant 0 : i32
        %dma_wait3A_219 = tpu.memref_slice %arg9[%dma_wait3A_217, %dma_wait3A_218] : memref<2048x8xf32, #tpu.memory_space<vmem>> -> memref<128x8xf32, #tpu.memory_space<vmem>>
        %dma_wait3A_220 = arith.constant 512 : i32
        %dma_wait3A_221 = tpu.memref_slice %arg6[%dma_wait3A_220] : memref<1024xi32, #tpu.memory_space<vmem>> -> memref<128xi32, #tpu.memory_space<vmem>>
        %dma_wait3A_222 = arith.constant 0 : i32
        %dma_wait3A_223 = arith.constant 0 : i32
        %dma_wait3A_224 = tpu.memref_slice %arg3[%dma_wait3A_222, %dma_wait3A_223] : memref<1250000x8xf32, #tpu.memory_space<hbm>> -> memref<1250000x8xf32, #tpu.memory_space<hbm>>
        tpu.wait_indirect_dma semaphore(%arg11 : memref<!tpu.dma_semaphore, #tpu.memory_space<semaphore_mem>>) src(%dma_wait3A_224 : memref<1250000x8xf32, #tpu.memory_space<hbm>>) dst(%dma_wait3A_219 : memref<128x8xf32, #tpu.memory_space<vmem>>)
        %dma_wait3A_225 = arith.constant 1536 : i32
        %dma_wait3A_226 = arith.constant 0 : i32
        %dma_wait3A_227 = tpu.memref_slice %arg9[%dma_wait3A_225, %dma_wait3A_226] : memref<2048x8xf32, #tpu.memory_space<vmem>> -> memref<128x8xf32, #tpu.memory_space<vmem>>
        %dma_wait3A_228 = arith.constant 512 : i32
        %dma_wait3A_229 = tpu.memref_slice %arg7[%dma_wait3A_228] : memref<1024xi32, #tpu.memory_space<vmem>> -> memref<128xi32, #tpu.memory_space<vmem>>
        %dma_wait3A_230 = arith.constant 0 : i32
        %dma_wait3A_231 = arith.constant 0 : i32
        %dma_wait3A_232 = tpu.memref_slice %arg3[%dma_wait3A_230, %dma_wait3A_231] : memref<1250000x8xf32, #tpu.memory_space<hbm>> -> memref<1250000x8xf32, #tpu.memory_space<hbm>>
        tpu.wait_indirect_dma semaphore(%arg11 : memref<!tpu.dma_semaphore, #tpu.memory_space<semaphore_mem>>) src(%dma_wait3A_232 : memref<1250000x8xf32, #tpu.memory_space<hbm>>) dst(%dma_wait3A_227 : memref<128x8xf32, #tpu.memory_space<vmem>>)
        %dma_wait3A_233 = arith.constant 640 : i32
        %dma_wait3A_234 = arith.constant 0 : i32
        %dma_wait3A_235 = tpu.memref_slice %arg9[%dma_wait3A_233, %dma_wait3A_234] : memref<2048x8xf32, #tpu.memory_space<vmem>> -> memref<128x8xf32, #tpu.memory_space<vmem>>
        %dma_wait3A_236 = arith.constant 640 : i32
        %dma_wait3A_237 = tpu.memref_slice %arg6[%dma_wait3A_236] : memref<1024xi32, #tpu.memory_space<vmem>> -> memref<128xi32, #tpu.memory_space<vmem>>
        %dma_wait3A_238 = arith.constant 0 : i32
        %dma_wait3A_239 = arith.constant 0 : i32
        %dma_wait3A_240 = tpu.memref_slice %arg3[%dma_wait3A_238, %dma_wait3A_239] : memref<1250000x8xf32, #tpu.memory_space<hbm>> -> memref<1250000x8xf32, #tpu.memory_space<hbm>>
        tpu.wait_indirect_dma semaphore(%arg11 : memref<!tpu.dma_semaphore, #tpu.memory_space<semaphore_mem>>) src(%dma_wait3A_240 : memref<1250000x8xf32, #tpu.memory_space<hbm>>) dst(%dma_wait3A_235 : memref<128x8xf32, #tpu.memory_space<vmem>>)
        %dma_wait3A_241 = arith.constant 1664 : i32
        %dma_wait3A_242 = arith.constant 0 : i32
        %dma_wait3A_243 = tpu.memref_slice %arg9[%dma_wait3A_241, %dma_wait3A_242] : memref<2048x8xf32, #tpu.memory_space<vmem>> -> memref<128x8xf32, #tpu.memory_space<vmem>>
        %dma_wait3A_244 = arith.constant 640 : i32
        %dma_wait3A_245 = tpu.memref_slice %arg7[%dma_wait3A_244] : memref<1024xi32, #tpu.memory_space<vmem>> -> memref<128xi32, #tpu.memory_space<vmem>>
        %dma_wait3A_246 = arith.constant 0 : i32
        %dma_wait3A_247 = arith.constant 0 : i32
        %dma_wait3A_248 = tpu.memref_slice %arg3[%dma_wait3A_246, %dma_wait3A_247] : memref<1250000x8xf32, #tpu.memory_space<hbm>> -> memref<1250000x8xf32, #tpu.memory_space<hbm>>
        tpu.wait_indirect_dma semaphore(%arg11 : memref<!tpu.dma_semaphore, #tpu.memory_space<semaphore_mem>>) src(%dma_wait3A_248 : memref<1250000x8xf32, #tpu.memory_space<hbm>>) dst(%dma_wait3A_243 : memref<128x8xf32, #tpu.memory_space<vmem>>)
        %dma_wait3A_249 = arith.constant 768 : i32
        %dma_wait3A_250 = arith.constant 0 : i32
        %dma_wait3A_251 = tpu.memref_slice %arg9[%dma_wait3A_249, %dma_wait3A_250] : memref<2048x8xf32, #tpu.memory_space<vmem>> -> memref<128x8xf32, #tpu.memory_space<vmem>>
        %dma_wait3A_252 = arith.constant 768 : i32
        %dma_wait3A_253 = tpu.memref_slice %arg6[%dma_wait3A_252] : memref<1024xi32, #tpu.memory_space<vmem>> -> memref<128xi32, #tpu.memory_space<vmem>>
        %dma_wait3A_254 = arith.constant 0 : i32
        %dma_wait3A_255 = arith.constant 0 : i32
        %dma_wait3A_256 = tpu.memref_slice %arg3[%dma_wait3A_254, %dma_wait3A_255] : memref<1250000x8xf32, #tpu.memory_space<hbm>> -> memref<1250000x8xf32, #tpu.memory_space<hbm>>
        tpu.wait_indirect_dma semaphore(%arg11 : memref<!tpu.dma_semaphore, #tpu.memory_space<semaphore_mem>>) src(%dma_wait3A_256 : memref<1250000x8xf32, #tpu.memory_space<hbm>>) dst(%dma_wait3A_251 : memref<128x8xf32, #tpu.memory_space<vmem>>)
        %dma_wait3A_257 = arith.constant 1792 : i32
        %dma_wait3A_258 = arith.constant 0 : i32
        %dma_wait3A_259 = tpu.memref_slice %arg9[%dma_wait3A_257, %dma_wait3A_258] : memref<2048x8xf32, #tpu.memory_space<vmem>> -> memref<128x8xf32, #tpu.memory_space<vmem>>
        %dma_wait3A_260 = arith.constant 768 : i32
        %dma_wait3A_261 = tpu.memref_slice %arg7[%dma_wait3A_260] : memref<1024xi32, #tpu.memory_space<vmem>> -> memref<128xi32, #tpu.memory_space<vmem>>
        %dma_wait3A_262 = arith.constant 0 : i32
        %dma_wait3A_263 = arith.constant 0 : i32
        %dma_wait3A_264 = tpu.memref_slice %arg3[%dma_wait3A_262, %dma_wait3A_263] : memref<1250000x8xf32, #tpu.memory_space<hbm>> -> memref<1250000x8xf32, #tpu.memory_space<hbm>>
        tpu.wait_indirect_dma semaphore(%arg11 : memref<!tpu.dma_semaphore, #tpu.memory_space<semaphore_mem>>) src(%dma_wait3A_264 : memref<1250000x8xf32, #tpu.memory_space<hbm>>) dst(%dma_wait3A_259 : memref<128x8xf32, #tpu.memory_space<vmem>>)
        %dma_wait3A_265 = arith.constant 896 : i32
        %dma_wait3A_266 = arith.constant 0 : i32
        %dma_wait3A_267 = tpu.memref_slice %arg9[%dma_wait3A_265, %dma_wait3A_266] : memref<2048x8xf32, #tpu.memory_space<vmem>> -> memref<128x8xf32, #tpu.memory_space<vmem>>
        %dma_wait3A_268 = arith.constant 896 : i32
        %dma_wait3A_269 = tpu.memref_slice %arg6[%dma_wait3A_268] : memref<1024xi32, #tpu.memory_space<vmem>> -> memref<128xi32, #tpu.memory_space<vmem>>
        %dma_wait3A_270 = arith.constant 0 : i32
        %dma_wait3A_271 = arith.constant 0 : i32
        %dma_wait3A_272 = tpu.memref_slice %arg3[%dma_wait3A_270, %dma_wait3A_271] : memref<1250000x8xf32, #tpu.memory_space<hbm>> -> memref<1250000x8xf32, #tpu.memory_space<hbm>>
        tpu.wait_indirect_dma semaphore(%arg11 : memref<!tpu.dma_semaphore, #tpu.memory_space<semaphore_mem>>) src(%dma_wait3A_272 : memref<1250000x8xf32, #tpu.memory_space<hbm>>) dst(%dma_wait3A_267 : memref<128x8xf32, #tpu.memory_space<vmem>>)
        %dma_wait3A_273 = arith.constant 1920 : i32
        %dma_wait3A_274 = arith.constant 0 : i32
        %dma_wait3A_275 = tpu.memref_slice %arg9[%dma_wait3A_273, %dma_wait3A_274] : memref<2048x8xf32, #tpu.memory_space<vmem>> -> memref<128x8xf32, #tpu.memory_space<vmem>>
        %dma_wait3A_276 = arith.constant 896 : i32
        %dma_wait3A_277 = tpu.memref_slice %arg7[%dma_wait3A_276] : memref<1024xi32, #tpu.memory_space<vmem>> -> memref<128xi32, #tpu.memory_space<vmem>>
        %dma_wait3A_278 = arith.constant 0 : i32
        %dma_wait3A_279 = arith.constant 0 : i32
        %dma_wait3A_280 = tpu.memref_slice %arg3[%dma_wait3A_278, %dma_wait3A_279] : memref<1250000x8xf32, #tpu.memory_space<hbm>> -> memref<1250000x8xf32, #tpu.memory_space<hbm>>
        tpu.wait_indirect_dma semaphore(%arg11 : memref<!tpu.dma_semaphore, #tpu.memory_space<semaphore_mem>>) src(%dma_wait3A_280 : memref<1250000x8xf32, #tpu.memory_space<hbm>>) dst(%dma_wait3A_275 : memref<128x8xf32, #tpu.memory_space<vmem>>)
        %scan3A_281 = arith.constant 0 : i32
        %scan3A_282 = arith.constant 0 : i32
        %scan3A_283 = arith.constant 64 : i32
        %scan3A_284 = arith.addi %scan3A_282, %scan3A_283 : i32
        %scan3A_285 = arith.constant 1 : i32
        scf.for %scan3A_295 = %scan3A_282 to %scan3A_284 step %scan3A_285  : i32 {
          %shift_right_arithmetic3A = arith.constant 3 : i32
          %shift_right_arithmetic3A_296 = arith.shrsi %scan3A_295, %shift_right_arithmetic3A : i32
          %and3A = arith.constant 7 : i32
          %and3A_297 = arith.andi %scan3A_295, %and3A : i32
          %mul3A_298 = arith.constant 16 : i32
          %mul3A_299 = arith.muli %and3A_297, %mul3A_298 : i32
          %add3A_300 = vector.broadcast %mul3A_299 : i32 to vector<16xi32>
          %add3A_301 = arith.addi %add3A_300, %iota3A : vector<16xi32>
          %mul3A_302 = arith.constant 8 : i32
          %mul3A_303 = vector.broadcast %mul3A_302 : i32 to vector<16xi32>
          %mul3A_304 = arith.muli %add3A_301, %mul3A_303 : vector<16xi32>
          %add3A_305 = vector.broadcast %shift_right_arithmetic3A_296 : i32 to vector<16xi32>
          %add3A_306 = arith.addi %mul3A_304, %add3A_305 : vector<16xi32>
          %gather3A = tpu.vector_load_idx %arg8[%add3A_306] : memref<1024xi32, #tpu.memory_space<vmem>>[vector<16xi32>], vector<16xi32>,
          %add3A_307 = arith.constant 0 : i32
          %add3A_308 = vector.broadcast %add3A_307 : i32 to vector<16xi32>
          %add3A_309 = arith.addi %gather3A, %add3A_308 : vector<16xi32>
          %shift_right_arithmetic3A_310 = arith.constant 3 : i32
          %shift_right_arithmetic3A_311 = vector.broadcast %shift_right_arithmetic3A_310 : i32 to vector<16xi32>
          %shift_right_arithmetic3A_312 = arith.shrsi %add3A_309, %shift_right_arithmetic3A_311 : vector<16xi32>
          %mul3A_313 = arith.constant 1024 : i32
          %mul3A_314 = vector.broadcast %mul3A_313 : i32 to vector<16xi32>
          %mul3A_315 = arith.muli %shift_right_arithmetic3A_312, %mul3A_314 : vector<16xi32>
          %add3A_316 = arith.addi %add3A_306, %mul3A_315 : vector<16xi32>
          %and3A_317 = arith.constant 7 : i32
          %and3A_318 = vector.broadcast %and3A_317 : i32 to vector<16xi32>
          %and3A_319 = arith.andi %add3A_309, %and3A_318 : vector<16xi32>
          %gather3A_320 = tpu.vector_load_idx %arg9[%add3A_316, %and3A_319] : memref<2048x8xf32, #tpu.memory_space<vmem>>[vector<16xi32>, vector<16xi32>], vector<16xf32>,
          %mul3A_321 = arith.constant 16 : i32
          %mul3A_322 = arith.muli %and3A_297, %mul3A_321 : i32
          %swap3A = arith.constant 0 : i32
          %swap3A_323 = arith.index_cast %swap3A : i32 to index
          %swap3A_324 = arith.index_cast %shift_right_arithmetic3A_296 : i32 to index
          %swap3A_325 = arith.index_cast %mul3A_322 : i32 to index
          %swap3A_326 = tpu.vector_load %arg10[%swap3A_323, %swap3A_324, %swap3A_325] {strides = array<i32>} : memref<10x8x128xf32, #tpu.memory_space<vmem>>, vector<16xf32>,
          tpu.vector_store %arg10[%swap3A_323, %swap3A_324, %swap3A_325], %gather3A_320 {strides = array<i32>} : memref<10x8x128xf32, #tpu.memory_space<vmem>>, vector<16xf32>,
          %add3A_327 = arith.constant 1 : i32
          %add3A_328 = vector.broadcast %add3A_327 : i32 to vector<16xi32>
          %add3A_329 = arith.addi %gather3A, %add3A_328 : vector<16xi32>
          %shift_right_arithmetic3A_330 = arith.constant 3 : i32
          %shift_right_arithmetic3A_331 = vector.broadcast %shift_right_arithmetic3A_330 : i32 to vector<16xi32>
          %shift_right_arithmetic3A_332 = arith.shrsi %add3A_329, %shift_right_arithmetic3A_331 : vector<16xi32>
          %mul3A_333 = arith.constant 1024 : i32
          %mul3A_334 = vector.broadcast %mul3A_333 : i32 to vector<16xi32>
          %mul3A_335 = arith.muli %shift_right_arithmetic3A_332, %mul3A_334 : vector<16xi32>
          %add3A_336 = arith.addi %add3A_306, %mul3A_335 : vector<16xi32>
          %and3A_337 = arith.constant 7 : i32
          %and3A_338 = vector.broadcast %and3A_337 : i32 to vector<16xi32>
          %and3A_339 = arith.andi %add3A_329, %and3A_338 : vector<16xi32>
          %gather3A_340 = tpu.vector_load_idx %arg9[%add3A_336, %and3A_339] : memref<2048x8xf32, #tpu.memory_space<vmem>>[vector<16xi32>, vector<16xi32>], vector<16xf32>,
          %mul3A_341 = arith.constant 16 : i32
          %mul3A_342 = arith.muli %and3A_297, %mul3A_341 : i32
          %swap3A_343 = arith.constant 1 : i32
          %swap3A_344 = arith.index_cast %swap3A_343 : i32 to index
          %swap3A_345 = arith.index_cast %shift_right_arithmetic3A_296 : i32 to index
          %swap3A_346 = arith.index_cast %mul3A_342 : i32 to index
          %swap3A_347 = tpu.vector_load %arg10[%swap3A_344, %swap3A_345, %swap3A_346] {strides = array<i32>} : memref<10x8x128xf32, #tpu.memory_space<vmem>>, vector<16xf32>,
          tpu.vector_store %arg10[%swap3A_344, %swap3A_345, %swap3A_346], %gather3A_340 {strides = array<i32>} : memref<10x8x128xf32, #tpu.memory_space<vmem>>, vector<16xf32>,
          %add3A_348 = arith.constant 2 : i32
          %add3A_349 = vector.broadcast %add3A_348 : i32 to vector<16xi32>
          %add3A_350 = arith.addi %gather3A, %add3A_349 : vector<16xi32>
          %shift_right_arithmetic3A_351 = arith.constant 3 : i32
          %shift_right_arithmetic3A_352 = vector.broadcast %shift_right_arithmetic3A_351 : i32 to vector<16xi32>
          %shift_right_arithmetic3A_353 = arith.shrsi %add3A_350, %shift_right_arithmetic3A_352 : vector<16xi32>
          %mul3A_354 = arith.constant 1024 : i32
          %mul3A_355 = vector.broadcast %mul3A_354 : i32 to vector<16xi32>
          %mul3A_356 = arith.muli %shift_right_arithmetic3A_353, %mul3A_355 : vector<16xi32>
          %add3A_357 = arith.addi %add3A_306, %mul3A_356 : vector<16xi32>
          %and3A_358 = arith.constant 7 : i32
          %and3A_359 = vector.broadcast %and3A_358 : i32 to vector<16xi32>
          %and3A_360 = arith.andi %add3A_350, %and3A_359 : vector<16xi32>
          %gather3A_361 = tpu.vector_load_idx %arg9[%add3A_357, %and3A_360] : memref<2048x8xf32, #tpu.memory_space<vmem>>[vector<16xi32>, vector<16xi32>], vector<16xf32>,
          %mul3A_362 = arith.constant 16 : i32
          %mul3A_363 = arith.muli %and3A_297, %mul3A_362 : i32
          %swap3A_364 = arith.constant 2 : i32
          %swap3A_365 = arith.index_cast %swap3A_364 : i32 to index
          %swap3A_366 = arith.index_cast %shift_right_arithmetic3A_296 : i32 to index
          %swap3A_367 = arith.index_cast %mul3A_363 : i32 to index
          %swap3A_368 = tpu.vector_load %arg10[%swap3A_365, %swap3A_366, %swap3A_367] {strides = array<i32>} : memref<10x8x128xf32, #tpu.memory_space<vmem>>, vector<16xf32>,
          tpu.vector_store %arg10[%swap3A_365, %swap3A_366, %swap3A_367], %gather3A_361 {strides = array<i32>} : memref<10x8x128xf32, #tpu.memory_space<vmem>>, vector<16xf32>,
          %add3A_369 = arith.constant 3 : i32
          %add3A_370 = vector.broadcast %add3A_369 : i32 to vector<16xi32>
          %add3A_371 = arith.addi %gather3A, %add3A_370 : vector<16xi32>
          %shift_right_arithmetic3A_372 = arith.constant 3 : i32
          %shift_right_arithmetic3A_373 = vector.broadcast %shift_right_arithmetic3A_372 : i32 to vector<16xi32>
          %shift_right_arithmetic3A_374 = arith.shrsi %add3A_371, %shift_right_arithmetic3A_373 : vector<16xi32>
          %mul3A_375 = arith.constant 1024 : i32
          %mul3A_376 = vector.broadcast %mul3A_375 : i32 to vector<16xi32>
          %mul3A_377 = arith.muli %shift_right_arithmetic3A_374, %mul3A_376 : vector<16xi32>
          %add3A_378 = arith.addi %add3A_306, %mul3A_377 : vector<16xi32>
          %and3A_379 = arith.constant 7 : i32
          %and3A_380 = vector.broadcast %and3A_379 : i32 to vector<16xi32>
          %and3A_381 = arith.andi %add3A_371, %and3A_380 : vector<16xi32>
          %gather3A_382 = tpu.vector_load_idx %arg9[%add3A_378, %and3A_381] : memref<2048x8xf32, #tpu.memory_space<vmem>>[vector<16xi32>, vector<16xi32>], vector<16xf32>,
          %mul3A_383 = arith.constant 16 : i32
          %mul3A_384 = arith.muli %and3A_297, %mul3A_383 : i32
          %swap3A_385 = arith.constant 3 : i32
          %swap3A_386 = arith.index_cast %swap3A_385 : i32 to index
          %swap3A_387 = arith.index_cast %shift_right_arithmetic3A_296 : i32 to index
          %swap3A_388 = arith.index_cast %mul3A_384 : i32 to index
          %swap3A_389 = tpu.vector_load %arg10[%swap3A_386, %swap3A_387, %swap3A_388] {strides = array<i32>} : memref<10x8x128xf32, #tpu.memory_space<vmem>>, vector<16xf32>,
          tpu.vector_store %arg10[%swap3A_386, %swap3A_387, %swap3A_388], %gather3A_382 {strides = array<i32>} : memref<10x8x128xf32, #tpu.memory_space<vmem>>, vector<16xf32>,
          %add3A_390 = arith.constant 4 : i32
          %add3A_391 = vector.broadcast %add3A_390 : i32 to vector<16xi32>
          %add3A_392 = arith.addi %gather3A, %add3A_391 : vector<16xi32>
          %shift_right_arithmetic3A_393 = arith.constant 3 : i32
          %shift_right_arithmetic3A_394 = vector.broadcast %shift_right_arithmetic3A_393 : i32 to vector<16xi32>
          %shift_right_arithmetic3A_395 = arith.shrsi %add3A_392, %shift_right_arithmetic3A_394 : vector<16xi32>
          %mul3A_396 = arith.constant 1024 : i32
          %mul3A_397 = vector.broadcast %mul3A_396 : i32 to vector<16xi32>
          %mul3A_398 = arith.muli %shift_right_arithmetic3A_395, %mul3A_397 : vector<16xi32>
          %add3A_399 = arith.addi %add3A_306, %mul3A_398 : vector<16xi32>
          %and3A_400 = arith.constant 7 : i32
          %and3A_401 = vector.broadcast %and3A_400 : i32 to vector<16xi32>
          %and3A_402 = arith.andi %add3A_392, %and3A_401 : vector<16xi32>
          %gather3A_403 = tpu.vector_load_idx %arg9[%add3A_399, %and3A_402] : memref<2048x8xf32, #tpu.memory_space<vmem>>[vector<16xi32>, vector<16xi32>], vector<16xf32>,
          %mul3A_404 = arith.constant 16 : i32
          %mul3A_405 = arith.muli %and3A_297, %mul3A_404 : i32
          %swap3A_406 = arith.constant 4 : i32
          %swap3A_407 = arith.index_cast %swap3A_406 : i32 to index
          %swap3A_408 = arith.index_cast %shift_right_arithmetic3A_296 : i32 to index
          %swap3A_409 = arith.index_cast %mul3A_405 : i32 to index
          %swap3A_410 = tpu.vector_load %arg10[%swap3A_407, %swap3A_408, %swap3A_409] {strides = array<i32>} : memref<10x8x128xf32, #tpu.memory_space<vmem>>, vector<16xf32>,
          tpu.vector_store %arg10[%swap3A_407, %swap3A_408, %swap3A_409], %gather3A_403 {strides = array<i32>} : memref<10x8x128xf32, #tpu.memory_space<vmem>>, vector<16xf32>,
          %add3A_411 = arith.constant 5 : i32
          %add3A_412 = vector.broadcast %add3A_411 : i32 to vector<16xi32>
          %add3A_413 = arith.addi %gather3A, %add3A_412 : vector<16xi32>
          %shift_right_arithmetic3A_414 = arith.constant 3 : i32
          %shift_right_arithmetic3A_415 = vector.broadcast %shift_right_arithmetic3A_414 : i32 to vector<16xi32>
          %shift_right_arithmetic3A_416 = arith.shrsi %add3A_413, %shift_right_arithmetic3A_415 : vector<16xi32>
          %mul3A_417 = arith.constant 1024 : i32
          %mul3A_418 = vector.broadcast %mul3A_417 : i32 to vector<16xi32>
          %mul3A_419 = arith.muli %shift_right_arithmetic3A_416, %mul3A_418 : vector<16xi32>
          %add3A_420 = arith.addi %add3A_306, %mul3A_419 : vector<16xi32>
          %and3A_421 = arith.constant 7 : i32
          %and3A_422 = vector.broadcast %and3A_421 : i32 to vector<16xi32>
          %and3A_423 = arith.andi %add3A_413, %and3A_422 : vector<16xi32>
          %gather3A_424 = tpu.vector_load_idx %arg9[%add3A_420, %and3A_423] : memref<2048x8xf32, #tpu.memory_space<vmem>>[vector<16xi32>, vector<16xi32>], vector<16xf32>,
          %mul3A_425 = arith.constant 16 : i32
          %mul3A_426 = arith.muli %and3A_297, %mul3A_425 : i32
          %swap3A_427 = arith.constant 5 : i32
          %swap3A_428 = arith.index_cast %swap3A_427 : i32 to index
          %swap3A_429 = arith.index_cast %shift_right_arithmetic3A_296 : i32 to index
          %swap3A_430 = arith.index_cast %mul3A_426 : i32 to index
          %swap3A_431 = tpu.vector_load %arg10[%swap3A_428, %swap3A_429, %swap3A_430] {strides = array<i32>} : memref<10x8x128xf32, #tpu.memory_space<vmem>>, vector<16xf32>,
          tpu.vector_store %arg10[%swap3A_428, %swap3A_429, %swap3A_430], %gather3A_424 {strides = array<i32>} : memref<10x8x128xf32, #tpu.memory_space<vmem>>, vector<16xf32>,
          %add3A_432 = arith.constant 6 : i32
          %add3A_433 = vector.broadcast %add3A_432 : i32 to vector<16xi32>
          %add3A_434 = arith.addi %gather3A, %add3A_433 : vector<16xi32>
          %shift_right_arithmetic3A_435 = arith.constant 3 : i32
          %shift_right_arithmetic3A_436 = vector.broadcast %shift_right_arithmetic3A_435 : i32 to vector<16xi32>
          %shift_right_arithmetic3A_437 = arith.shrsi %add3A_434, %shift_right_arithmetic3A_436 : vector<16xi32>
          %mul3A_438 = arith.constant 1024 : i32
          %mul3A_439 = vector.broadcast %mul3A_438 : i32 to vector<16xi32>
          %mul3A_440 = arith.muli %shift_right_arithmetic3A_437, %mul3A_439 : vector<16xi32>
          %add3A_441 = arith.addi %add3A_306, %mul3A_440 : vector<16xi32>
          %and3A_442 = arith.constant 7 : i32
          %and3A_443 = vector.broadcast %and3A_442 : i32 to vector<16xi32>
          %and3A_444 = arith.andi %add3A_434, %and3A_443 : vector<16xi32>
          %gather3A_445 = tpu.vector_load_idx %arg9[%add3A_441, %and3A_444] : memref<2048x8xf32, #tpu.memory_space<vmem>>[vector<16xi32>, vector<16xi32>], vector<16xf32>,
          %mul3A_446 = arith.constant 16 : i32
          %mul3A_447 = arith.muli %and3A_297, %mul3A_446 : i32
          %swap3A_448 = arith.constant 6 : i32
          %swap3A_449 = arith.index_cast %swap3A_448 : i32 to index
          %swap3A_450 = arith.index_cast %shift_right_arithmetic3A_296 : i32 to index
          %swap3A_451 = arith.index_cast %mul3A_447 : i32 to index
          %swap3A_452 = tpu.vector_load %arg10[%swap3A_449, %swap3A_450, %swap3A_451] {strides = array<i32>} : memref<10x8x128xf32, #tpu.memory_space<vmem>>, vector<16xf32>,
          tpu.vector_store %arg10[%swap3A_449, %swap3A_450, %swap3A_451], %gather3A_445 {strides = array<i32>} : memref<10x8x128xf32, #tpu.memory_space<vmem>>, vector<16xf32>,
          %add3A_453 = arith.constant 7 : i32
          %add3A_454 = vector.broadcast %add3A_453 : i32 to vector<16xi32>
          %add3A_455 = arith.addi %gather3A, %add3A_454 : vector<16xi32>
          %shift_right_arithmetic3A_456 = arith.constant 3 : i32
          %shift_right_arithmetic3A_457 = vector.broadcast %shift_right_arithmetic3A_456 : i32 to vector<16xi32>
          %shift_right_arithmetic3A_458 = arith.shrsi %add3A_455, %shift_right_arithmetic3A_457 : vector<16xi32>
          %mul3A_459 = arith.constant 1024 : i32
          %mul3A_460 = vector.broadcast %mul3A_459 : i32 to vector<16xi32>
          %mul3A_461 = arith.muli %shift_right_arithmetic3A_458, %mul3A_460 : vector<16xi32>
          %add3A_462 = arith.addi %add3A_306, %mul3A_461 : vector<16xi32>
          %and3A_463 = arith.constant 7 : i32
          %and3A_464 = vector.broadcast %and3A_463 : i32 to vector<16xi32>
          %and3A_465 = arith.andi %add3A_455, %and3A_464 : vector<16xi32>
          %gather3A_466 = tpu.vector_load_idx %arg9[%add3A_462, %and3A_465] : memref<2048x8xf32, #tpu.memory_space<vmem>>[vector<16xi32>, vector<16xi32>], vector<16xf32>,
          %mul3A_467 = arith.constant 16 : i32
          %mul3A_468 = arith.muli %and3A_297, %mul3A_467 : i32
          %swap3A_469 = arith.constant 7 : i32
          %swap3A_470 = arith.index_cast %swap3A_469 : i32 to index
          %swap3A_471 = arith.index_cast %shift_right_arithmetic3A_296 : i32 to index
          %swap3A_472 = arith.index_cast %mul3A_468 : i32 to index
          %swap3A_473 = tpu.vector_load %arg10[%swap3A_470, %swap3A_471, %swap3A_472] {strides = array<i32>} : memref<10x8x128xf32, #tpu.memory_space<vmem>>, vector<16xf32>,
          tpu.vector_store %arg10[%swap3A_470, %swap3A_471, %swap3A_472], %gather3A_466 {strides = array<i32>} : memref<10x8x128xf32, #tpu.memory_space<vmem>>, vector<16xf32>,
          %add3A_474 = arith.constant 8 : i32
          %add3A_475 = vector.broadcast %add3A_474 : i32 to vector<16xi32>
          %add3A_476 = arith.addi %gather3A, %add3A_475 : vector<16xi32>
          %shift_right_arithmetic3A_477 = arith.constant 3 : i32
          %shift_right_arithmetic3A_478 = vector.broadcast %shift_right_arithmetic3A_477 : i32 to vector<16xi32>
          %shift_right_arithmetic3A_479 = arith.shrsi %add3A_476, %shift_right_arithmetic3A_478 : vector<16xi32>
          %mul3A_480 = arith.constant 1024 : i32
          %mul3A_481 = vector.broadcast %mul3A_480 : i32 to vector<16xi32>
          %mul3A_482 = arith.muli %shift_right_arithmetic3A_479, %mul3A_481 : vector<16xi32>
          %add3A_483 = arith.addi %add3A_306, %mul3A_482 : vector<16xi32>
          %and3A_484 = arith.constant 7 : i32
          %and3A_485 = vector.broadcast %and3A_484 : i32 to vector<16xi32>
          %and3A_486 = arith.andi %add3A_476, %and3A_485 : vector<16xi32>
          %gather3A_487 = tpu.vector_load_idx %arg9[%add3A_483, %and3A_486] : memref<2048x8xf32, #tpu.memory_space<vmem>>[vector<16xi32>, vector<16xi32>], vector<16xf32>,
          %mul3A_488 = arith.constant 16 : i32
          %mul3A_489 = arith.muli %and3A_297, %mul3A_488 : i32
          %swap3A_490 = arith.constant 8 : i32
          %swap3A_491 = arith.index_cast %swap3A_490 : i32 to index
          %swap3A_492 = arith.index_cast %shift_right_arithmetic3A_296 : i32 to index
          %swap3A_493 = arith.index_cast %mul3A_489 : i32 to index
          %swap3A_494 = tpu.vector_load %arg10[%swap3A_491, %swap3A_492, %swap3A_493] {strides = array<i32>} : memref<10x8x128xf32, #tpu.memory_space<vmem>>, vector<16xf32>,
          tpu.vector_store %arg10[%swap3A_491, %swap3A_492, %swap3A_493], %gather3A_487 {strides = array<i32>} : memref<10x8x128xf32, #tpu.memory_space<vmem>>, vector<16xf32>,
          %add3A_495 = arith.constant 9 : i32
          %add3A_496 = vector.broadcast %add3A_495 : i32 to vector<16xi32>
          %add3A_497 = arith.addi %gather3A, %add3A_496 : vector<16xi32>
          %shift_right_arithmetic3A_498 = arith.constant 3 : i32
          %shift_right_arithmetic3A_499 = vector.broadcast %shift_right_arithmetic3A_498 : i32 to vector<16xi32>
          %shift_right_arithmetic3A_500 = arith.shrsi %add3A_497, %shift_right_arithmetic3A_499 : vector<16xi32>
          %mul3A_501 = arith.constant 1024 : i32
          %mul3A_502 = vector.broadcast %mul3A_501 : i32 to vector<16xi32>
          %mul3A_503 = arith.muli %shift_right_arithmetic3A_500, %mul3A_502 : vector<16xi32>
          %add3A_504 = arith.addi %add3A_306, %mul3A_503 : vector<16xi32>
          %and3A_505 = arith.constant 7 : i32
          %and3A_506 = vector.broadcast %and3A_505 : i32 to vector<16xi32>
          %and3A_507 = arith.andi %add3A_497, %and3A_506 : vector<16xi32>
          %gather3A_508 = tpu.vector_load_idx %arg9[%add3A_504, %and3A_507] : memref<2048x8xf32, #tpu.memory_space<vmem>>[vector<16xi32>, vector<16xi32>], vector<16xf32>,
          %mul3A_509 = arith.constant 16 : i32
          %mul3A_510 = arith.muli %and3A_297, %mul3A_509 : i32
          %swap3A_511 = arith.constant 9 : i32
          %swap3A_512 = arith.index_cast %swap3A_511 : i32 to index
          %swap3A_513 = arith.index_cast %shift_right_arithmetic3A_296 : i32 to index
          %swap3A_514 = arith.index_cast %mul3A_510 : i32 to index
          %swap3A_515 = tpu.vector_load %arg10[%swap3A_512, %swap3A_513, %swap3A_514] {strides = array<i32>} : memref<10x8x128xf32, #tpu.memory_space<vmem>>, vector<16xf32>,
          tpu.vector_store %arg10[%swap3A_512, %swap3A_513, %swap3A_514], %gather3A_508 {strides = array<i32>} : memref<10x8x128xf32, #tpu.memory_space<vmem>>, vector<16xf32>,
        }
        %scan3A_286 = arith.constant 64 : i32
        %dma_start3A_287 = arith.constant 0 : i32
        %dma_start3A_288 = tpu.memref_slice %arg4[%dma_start3A_287, %mul3A_20, %add3A_11] : memref<10x200x16384xf32, #tpu.memory_space<hbm>> -> memref<10x8x128xf32, #tpu.memory_space<hbm>>
        %dma_start3A_289 = arith.constant 0 : i32
        %dma_start3A_290 = tpu.memref_slice %arg4[%dma_start3A_289, %mul3A_20, %add3A_11] : memref<10x200x16384xf32, #tpu.memory_space<hbm>> -> memref<10x8x128xf32, #tpu.memory_space<hbm>>
        tpu.enqueue_dma source(%arg10 : memref<10x8x128xf32, #tpu.memory_space<vmem>>) target(%dma_start3A_290 : memref<10x8x128xf32, #tpu.memory_space<hbm>>) target_semaphore(%arg12 : memref<!tpu.dma_semaphore, #tpu.memory_space<semaphore_mem>>)
        %dma_wait3A_291 = arith.constant 0 : i32
        %dma_wait3A_292 = tpu.memref_slice %arg4[%dma_wait3A_291, %mul3A_20, %add3A_11] : memref<10x200x16384xf32, #tpu.memory_space<hbm>> -> memref<10x8x128xf32, #tpu.memory_space<hbm>>
        %dma_wait3A_293 = arith.constant 0 : i32
        %dma_wait3A_294 = tpu.memref_slice %arg4[%dma_wait3A_293, %mul3A_20, %add3A_11] : memref<10x200x16384xf32, #tpu.memory_space<hbm>> -> memref<10x8x128xf32, #tpu.memory_space<hbm>>
        tpu.wait_dma2 semaphore(%arg12 : memref<!tpu.dma_semaphore, #tpu.memory_space<semaphore_mem>>) src(%arg10 : memref<10x8x128xf32, #tpu.memory_space<vmem>>) dst(%dma_wait3A_294 : memref<10x8x128xf32, #tpu.memory_space<hbm>>)
      }
      %scan3A_17 = arith.constant 25 : i32
    }
    %scan3A_7 = arith.constant 4 : i32
    return
  }
}

</mosaic_0001>

<sc_bundles>
// kernel: kernel.3.cloned.1.call-start
scs
__scs_entry_jumppad:
0x0: {  	(pc) =	sbr.rel $0x88, $3  }
0x1: {  	(tag) =	ssettag $0x0;
	lr =	simm.s32 $0x1  }
0x2: {  	[smem:$0x3F9F] =	sst lr;
	_ =	strace $0xD0000000  }
0x3: {  	_ = 	snop  }
0x4: {  	_ = 	snop  }
0x5: {  	_ = 	snop  }
0x6: {  	_ = 	snop  }
0x7: {  	_ = 	snop  }
__scs_overlays_trampoline_lowered:
0x8: {  	[smem:$0x3FAE] =	sst s0  }
0x9: {  	[smem:$0x3FAF] =	sst s1  }
0xa: {  	[smem:$0x3FB0] =	sst s2  }
0xb: {  	[smem:$0x3FB1] =	sst s3  }
0xc: {  	[smem:$0x3FB2] =	sst s4  }
0xd: {  	[smem:$0x3FB3] =	sst s5  }
0xe: {  	[smem:$0x3FB4] =	sst s6  }
0xf: {  	[smem:$0x3FB5] =	sst s7  }
0x10: {  	[smem:$0x3FB6] =	sst s8  }
0x11: {  	[smem:$0x3FB7] =	sst s9;
	s0 =	simm.s32 @!p0 $0x0  }
0x12: {  	s1 =	sld [smem:$0x3F9D];
	s0 =	simm.s32 @p0 $0x1  }
0x13: {  	[smem:$0x3FB8] =	sst s0;
	s0 =	simm.s32 @!p1 $0x0  }
0x14: {  	s2 =	sld [smem:$0x3F9C];
	s0 =	simm.s32 @p1 $0x1  }
0x15: {  	[smem:$0x3FB9] =	sst s0;
	s0 =	simm.s32 @!p2 $0x0  }
0x16: {  	s3 =	sld [smem:$0x3FDB];
	s0 =	simm.s32 @p2 $0x1  }
0x17: {  	s4 =	simm.s32 $0x1BF5;
	[smem:$0x3FBB] =	sst s0  }
0x18: {  	s0 =	sld [smem:$0x3F9E];
	_ =	swait.ge [sflag:s4], $0x0  }
0x19: {  	s7 =	sld [smem:$0x3F9F]  }
0x1a: {  	s8 =	sadd.s32 $0xFFFFE003, lr  }
0x1b: {  	s9 =	sadd.s32 $0xFFFFFEF7, lr;
	s5 =	simm.s32 $0xFFFFFFFF;
	p2 =	slt.u32 s8, $0xFFFFF086  }
0x1c: {  	p1 =	slt.u32 s9, $0xF7A;
	s5 =	simm.s32 @!p2 $0x0  }
0x1d: {  	s5 =	simm.s32 @p1 $0x1;
	p0 =	seq.s32 s7, s2  }
0x1e: {  	s7 =	smul.u32 @!p0 $0xF7A, s2;
	p2 =	seq.s32 @!p0 s5, $0x0  }
0x1f: {  	s9 =	smul.u32 $0xF7A, s1;
	s8 =	simm.s32 @!p0 $0x1BF5;
	p2 =	por !p2, p0  }
0x20: {  	[sflag:s8] =	ssyncset.s32 @!p0 $0xFFFFF086;
	s6 =	sadd.s32 @!p0 s3, s7;
	s7 =	simm.s32 @!p0 $0x108  }
0x21: {  	s3 =	sadd.s32 s3, s9;
	s6 =	sadd.s32 @!p0 $0x88, s6;
	s7 =	simm.s32 @p2 $0x1082  }
0x22: {  	[simem:s7], [sflag:s8] =	dma.local @!p0 [hbm:s6], $0xF7A  }
0x23: {  	s9 =	sor.u32 $0xD0000000, s2;
	s6 =	simm.s32 $0x108;
	_ =	swait.ge @!p0 [sflag:s8], $0x0  }
0x24: {  	s3 =	sadd.s32 $0x88, s3;
	s6 =	simm.s32 @!p1 $0x1082;
	[sflag:s4] =	ssyncset.s32 $0xFFFFF086  }
0x25: {  	[simem:s6], [sflag:s4] =	dma.local [hbm:s3], $0xF7A  }
0x26: {  	[smem:$0x3F9F] =	sst s1;
	(tag) =	ssettag s2;
	_ =	strace s9  }
0x27: {  	s1 =	sld [smem:$0x3FAF]  }
0x28: {  	s2 =	sld [smem:$0x3FB0]  }
0x29: {  	s4 =	sld [smem:$0x3FB2]  }
0x2a: {  	p0 =	seq.s32 s5, $0x0;
	s5 =	sld [smem:$0x3FB3]  }
0x2b: {  	s6 =	sld [smem:$0x3FB4]  }
0x2c: {  	s7 =	sld [smem:$0x3FB5]  }
0x2d: {  	s3 =	simm.s32 $0x108;
	s8 =	sld [smem:$0x3FB6]  }
0x2e: {  	s3 =	simm.s32 @!p0 $0x1082;
	s9 =	sld [smem:$0x3FB7]  }
0x2f: {  	lr =	sadd.s32 s0, s3;
	s0 =	sld [smem:$0x3FAE]  }
0x30: {  	s3 =	sld [smem:$0x3FB1]  }
0x31: {  	[smem:$0x3FBA] =	sst s10  }
0x32: {  	s10 =	sld [smem:$0x3FB8];
	_ =	sdelay $0x3  }
0x33: {  	p0 =	seq.s32 s10, $0x1;
	s10 =	sld [smem:$0x3FBA];
	_ =	sdelay $0x3  }
0x34: {  	[smem:$0x3FBA] =	sst s10  }
0x35: {  	s10 =	sld [smem:$0x3FB9];
	_ =	sdelay $0x3  }
0x36: {  	p1 =	seq.s32 s10, $0x1;
	s10 =	sld [smem:$0x3FBA];
	_ =	sdelay $0x3  }
0x37: {  	[smem:$0x3FBA] =	sst s10  }
0x38: {  	s10 =	sld [smem:$0x3FBB]  }
0x39: {  	_ = 	snop;
	(pc) =	sbr.ind lr, $3  }
0x3a: {  	_ = 	snop  }
0x3b: {  	_ = 	snop  }
0x3c: {  	p2 =	seq.s32 s10, $0x1;
	s10 =	sld [smem:$0x3FBA]  }
0x3d: {  	_ =	shalt  }
0x3e: {  	_ =	shalt  }
0x3f: {  	_ =	shalt  }
0x40: {  	_ =	shalt  }
0x41: {  	_ =	shalt  }
0x42: {  	_ =	shalt  }
0x43: {  	_ =	shalt  }
0x44: {  	_ =	shalt  }
0x45: {  	_ =	shalt  }
0x46: {  	_ =	shalt  }
0x47: {  	_ =	shalt  }
0x48: {  	_ =	shalt  }
0x49: {  	_ =	shalt  }
0x4a: {  	_ =	shalt  }
0x4b: {  	_ =	shalt  }
0x4c: {  	_ =	shalt  }
0x4d: {  	_ =	shalt  }
0x4e: {  	_ =	shalt  }
0x4f: {  	_ =	shalt  }
0x50: {  	_ =	shalt  }
0x51: {  	_ =	shalt  }
0x52: {  	_ =	shalt  }
0x53: {  	_ =	shalt  }
0x54: {  	_ =	shalt  }
0x55: {  	_ =	shalt  }
0x56: {  	_ =	shalt  }
0x57: {  	_ =	shalt  }
0x58: {  	_ =	shalt  }
0x59: {  	_ =	shalt  }
0x5a: {  	_ =	shalt  }
0x5b: {  	_ =	shalt  }
0x5c: {  	_ =	shalt  }
0x5d: {  	_ =	shalt  }
0x5e: {  	_ =	shalt  }
0x5f: {  	_ =	shalt  }
0x60: {  	_ =	shalt  }
0x61: {  	_ =	shalt  }
0x62: {  	_ =	shalt  }
0x63: {  	_ =	shalt  }
0x64: {  	_ =	shalt  }
0x65: {  	_ =	shalt  }
0x66: {  	_ =	shalt  }
0x67: {  	_ =	shalt  }
0x68: {  	_ =	shalt  }
0x69: {  	_ =	shalt  }
0x6a: {  	_ =	shalt  }
0x6b: {  	_ =	shalt  }
0x6c: {  	_ =	shalt  }
0x6d: {  	_ =	shalt  }
0x6e: {  	_ =	shalt  }
0x6f: {  	_ =	shalt  }
0x70: {  	_ =	shalt  }
0x71: {  	_ =	shalt  }
0x72: {  	_ =	shalt  }
0x73: {  	_ =	shalt  }
0x74: {  	_ =	shalt  }
0x75: {  	_ =	shalt  }
0x76: {  	_ =	shalt  }
0x77: {  	_ =	shalt  }
0x78: {  	_ =	shalt  }
0x79: {  	_ =	shalt  }
0x7a: {  	_ =	shalt  }
0x7b: {  	_ =	shalt  }
0x7c: {  	_ =	shalt  }
0x7d: {  	_ =	shalt  }
0x7e: {  	_ =	shalt  }
0x7f: {  	_ =	shalt  }
0x80: {  	_ =	shalt  }
0x81: {  	_ =	shalt  }
0x82: {  	_ =	shalt  }
0x83: {  	_ =	shalt  }
0x84: {  	_ =	shalt  }
0x85: {  	_ =	shalt  }
0x86: {  	_ =	shalt  }
0x87: {  	_ =	shalt  }
.Lfunc_end0:
.L_simem_size_0:
called_computation_lowered:
.L_overlay_start_0:
0x88: {  	s2 =	sld [smem:$0x3FD9]  }
0x89: {  	s3 =	sld [smem:$0x3FFE];
	_ =	sdelay $0x1  }
0x8a: {  	s1 =	srdreg.scid  }
0x8b: {  	s0 =	sand.u32 $0x1, s1  }
0x8c: {  	s17 =	sshll.u32 s0, $0xA;
	s2 =	sadd.s32 s3, s2  }
0x8d: {  	s2 =	sadd.s32 s2, s17  }
0x8e: {  	[smem:$0x3FC6] =	sst s2  }
0x8f: {  	_ = 	snop  }
0x90: {  	s2 =	sld [smem:$0x3FD0];
	(tm) =	ssettm $0x1  }
0x91: {  	s18 =	sld [smem:$0x3FFB];
	_ =	sdelay $0x3  }
0x92: {  	_ =	strace s18  }
0x93: {  	s3 =	sld [smem:$0x3FFC];
	_ =	sdelay $0x3  }
0x94: {  	_ =	strace s3  }
0x95: {  	s3 =	sld [smem:$0x3FFD];
	_ =	sdelay $0x3  }
0x96: {  	_ =	strace s3  }
0x97: {  	_ =	strace $0x8FFFFFFF  }
0x98: {  	s19 =	sld [smem:$0x3FDB];
	_ =	sdelay $0x1  }
0x99: {  	s4 =	simm.s32 $_scs_section_size  }
0x9a: {  	s5 =	simm.s32 $_size__tile_overlayer_lowered;
	s6 =	simm.s32 $_tile_overlayer_lowered  }
0x9b: {  	s22 =	simm.s32 $0x1BFF;
	s21 =	sshll.u32 s6, $0x1;
	s3 =	sadd.s32 s4, s19  }
0x9c: {  	s7 =	simm.s32 $0x0;
	s20 =	sshll.u32 s5, $0x1;
	s5 =	sadd.s32 s21, s3  }
0x9d: {  	[timem:s7], [sflag:s22] =	dma.local [hbm:s5], s20  }
0x9e: {  	_ =	swait.ge [sflag:s22], s20  }
0x9f: {  	s4 =	ssub.s32 $0x0, s20;
	[sflag:s22] =	ssyncset.done $0x0  }
0xa0: {  	[sflag:s22] =	ssyncadd.s32 s4;
	_ =	sdelay $0x1  }
0xa1: {  	s23 =	simm.s32 $0x1B8B  }
0xa2: {  	_ =	swait.ge [sflag:s23], $0x1  }
0xa3: {  	[sflag:s23] =	ssyncset.done $0x0  }
0xa4: {  	s25 =	simm.s32 $0x1B8E;
	s24 =	sld [smem:$0x3FFE];
	[sflag:s23] =	ssyncadd.s32 $0xFFFFFFFF  }
0xa5: {  	s26 =	simm.s32 $execute0_lowered;
	[smem:$0x3FD2] =	sst s25  }
0xa6: {  	s5 =	sshll.u32 s26, $0x1;
	_ =	strace $0x80000046;
	[dreg:$0x1] =	wrdreg $0xFFFFFFFF  }
0xa7: {  	s28 =	simm.s32 $_size_execute0_lowered;
	s3 =	sadd.s32 s3, s5;
	[dreg:$0x0] =	wrdreg $0x0  }
0xa8: {  	s5 =	sshll.u32 s28, $0x1;
	[dreg:$0x2] =	wrdreg s3  }
0xa9: {  	[dreg:$0x3] =	wrdreg s5  }
0xaa: {  	[dreg:$0x4] =	wrdreg $0xC0  }
0xab: {  	_ =	task [dreg:s7], $0x5FFFF  }
0xac: {  	[dreg:$0x1] =	wrdreg $0xFFFFFFFF  }
0xad: {  	[dreg:$0x0] =	wrdreg $0x60  }
0xae: {  	[dreg:$0x2] =	wrdreg s24  }
0xaf: {  	[dreg:$0x3] =	wrdreg s2  }
0xb0: {  	[dreg:$0x4] =	wrdreg $0x9  }
0xb1: {  	_ =	task.clear_ibuf [dreg:s7], $0x5FFFF;
	_ =	strace $0x90000046  }
0xb2: {  	s29 =	simm.s32 $0x9;
	_ =	strace $0x80000048  }
0xb3: {  	_ =	swait.ge [sflag:s29], $0x1  }
0xb4: {  	[sflag:s29] =	ssyncadd.s32 $0xFFFFFFFF  }
0xb5: {  	_ =	strace $0x90000048  }
0xb6: {  	_ =	sfence  }
0xb7: {  	s30 =	sld [smem:$0x0];
	_ =	sdelay $0x2  }
0xb8: {  	s31 =	sshll.u32 s1, $0xD;
	s1 =	sshrl.u32 s1, $0x2  }
0xb9: {  	s3 =	sand.u32 $0x4000, s31;
	s1 =	sadd.s32 s1, s30  }
0xba: {  	s0 =	sor.u32 s3, s0;
	s1 =	sshll.u32 s1, $0x11  }
0xbb: {  	s0 =	sor.u32 s1, s0  }
0xbc: {  	s0 =	sadd.s32 $0x8F2B, s0  }
0xbd: {  	[sflag:s0] =	ssyncadd.remote.s32 $0x1  }
0xbe: {  	_ =	sfence.sel $0xFFFF  }
0xbf: {  	[dreg:$0x0] =	wrdreg $0xFFFFFFFF;
	(pc) =	sbr.abs _section_cstart, $3  }
0xc0: {  	[dreg:$0x1] =	wrdreg $0xFFFFFFFF  }
0xc1: {  	_ =	task.clear_ibuf [dreg:s7], $0x2FFFF;
	_ =	strace $0x9FFFFFFF  }
0xc2: {  	(tm) =	ssettm $0x7FFFFFFF  }
0xc3: {  	_ =	shalt  }
tec
execute0_lowered:
.L_overlay_start_1:
0x0: {  	(tag) =	ssettag $0x1  }
0x1: {  	s0 =	rddreg [dreg:$0x0]  }
0x2: {  	s1 =	rddreg [dreg:$0x1];
	s2 =	simm.s32 $0x0;
	s3 =	srdreg.scid  }
0x3: {  	s6 =	stileid.u32;
	s9 =	simm.s32 $0x80;
	s11 =	simm.s32 $0x7000  }
0x4: {  	s13 =	simm.s32 $0x8C00;
	s14 =	simm.s32 $0x6B80;
	s15 =	simm.s32 $0xAC00  }
0x5: {  	s16 =	simm.s32 $0x1;
	s17 =	simm.s32 $0x6C00;
	s18 =	simm.s32 $0x4000  }
0x6: {  	s19 =	simm.s32 $0xB000;
	s20 =	simm.s32 $0xB400;
	s21 =	simm.s32 $0xB800  }
0x7: {  	s22 =	simm.s32 $0xBC00;
	s23 =	simm.s32 $0xC000;
	s24 =	simm.s32 $0xC400  }
0x8: {  	s28 =	simm.s32 $0xD000;
	s29 =	simm.s32 $0xD400;
	s30 =	simm.s32 $0x2  }
0x9: {  	[smem:$0x7FF] =	sst s2;
	s3 =	sand.u32 $0x1, s3;
	s4 =	sadd.s32 $0x600, s0  }
0xa: {  	s5 =	sadd.s32 $0x64600, s0;
	s31 =	sshll.u32 s6, $0xA;
	s25 =	ssub.s32 $0x2, s3  }
0xb: {  	_ =	strace $0x80000047;
	s3 =	sshll.u32 s3, $0x9;
	s26 =	sshrl.u32 s25, $0x1  }
0xc: {  	[dreg:$0x3] =	wrdreg s4;
	s3 =	sor.u32 s3, s31;
	s0 =	ssub.s32 s25, s26  }
0xd: {  	v0 =	vlaneseq.u32;
	[dreg:$0x4] =	wrdreg s3;
	s25 =	simm.s32 $0xC800;
	s0 =	smax.u32 s0, $0x1  }
0xe: {  	v1 =	vand.u32 $0x7, v0;
	v2 =	vmul.u32 $0x8, v0;
	s26 =	simm.s32 $0xCC00;
	s3 =	simm.s32 $0x0;
	[dreg:$0x5] =	wrdreg s0  }
.LBB2_1:
0xf: {  	[dreg:$0x6] =	wrdreg s3;
	s0 =	simm.s32 $0x0  }
.LBB2_2:
0x10: {  	s8 =	sshll.u32 s0, $0x7;
	s3 =	rddreg [dreg:$0x4]  }
0x11: {  	s31 =	sadd.s32 s3, s8  }
0x12: {  	[dreg:$0x7] =	wrdreg s0;
	s0 =	smul.u32 $0x19, s31  }
0x13: {  	s10 =	rddreg [dreg:$0x3]  }
0x14: {  	s12 =	simm.s32 $0x3;
	s3 =	sadd.s32 s10, s0;
	s0 =	simm.s32 $0x0  }
0x15: {  	[tilespmem:s0], [sflag:$0x3] =	stream.linear.gather [hbm4b:s3+s0], $0x6400, $0x38;
	[tilespmem:$0xD800] =	vst v63  }
0x16: {  	_ =	swait.ge [sflag:s12], $0x6400  }
0x17: {  	[sflag:s12] =	ssyncset.done $0x0  }
0x18: {  	s3 =	simm.s32 $0x0;
	[sflag:s12] =	ssyncadd.s32 $0xFFFF9C00  }
.LBB2_3:
0x19: {  	s4 =	sshll.u32 s3, $0x3  }
0x1a: {  	v3 =	vmov s4  }
0x1b: {  	v3 =	vshrl.u32 v3, $0x3  }
0x1c: {  	v4 =	vor.u32 s0, v0;
	v3 =	vshll.u32 v3, $0x3  }
0x1d: {  	v4 =	vshrl.u32 v4, $0x3;
	v3 =	vbroadcast v3, $0x0  }
0x1e: {  	v4 =	vmul.u32 $0xC8, v4  }
0x1f: {  	v3 =	vor.u32 v1, v3  }
0x20: {  	v4 =	vadd.s32 v3, v4;
	_ =	sdelay $0x4  }
0x21: {  	s12 =	simm.s32 $0x10;
	v4 =	vld.idx.msk [tilespmem:v4+s2+$0x0], $0xffff  }
0x22: {  	v5 =	vor.u32 s12, v0  }
0x23: {  	v5 =	vshrl.u32 v5, $0x3  }
0x24: {  	v5 =	vmul.u32 $0xC8, v5;
	_ =	sdelay $0x1  }
0x25: {  	v5 =	vadd.s32 v3, v5;
	v6 =	vshra.s32 v4, $0x2  }
0x26: {  	s7 =	simm.s32 $0x6400;
	v6 =	vadd.s32 v4, v6  }
0x27: {  	s4 =	simm.s32 $0x6800;
	v4 =	vshll.u32 v4, $0x1;
	[tilespmem:s7+$0x0] =	vst v6;
	v6 =	vadd.s32 $0x1, v6  }
0x28: {  	s6 =	simm.s32 $0x6C00;
	v4 =	vand.u32 $0x6, v4;
	[tilespmem:s4+$0x0] =	vst v6  }
0x29: {  	[tilespmem:s6+$0x0] =	vst v4  }
0x2a: {  	s8 =	simm.s32 $0x20;
	v4 =	vld.idx.msk [tilespmem:v5+s2+$0x0], $0xffff  }
0x2b: {  	v6 =	vor.u32 s8, v0  }
0x2c: {  	s8 =	simm.s32 $0x30;
	v5 =	vshrl.u32 v6, $0x3  }
.LBB2_4:
0x2d: {  	p0 =	sne.s32 s8, $0x3F0;
	v5 =	vmul.u32 $0xC8, v5;
	_ =	sdelay $0x1  }
0x2e: {  	v6 =	vshra.s32 v4, $0x2;
	v5 =	vadd.s32 v3, v5  }
0x2f: {  	s7 =	sadd.s32 $0x10, s7;
	v6 =	vadd.s32 v4, v6  }
0x30: {  	s4 =	sadd.s32 $0x10, s4;
	v4 =	vshll.u32 v4, $0x1;
	[tilespmem:s7+$0x0] =	vst v6;
	v6 =	vadd.s32 $0x1, v6  }
0x31: {  	s6 =	sadd.s32 $0x10, s6;
	v4 =	vand.u32 $0x6, v4;
	[tilespmem:s4+$0x0] =	vst v6  }
.Ltmp0:
0x32: {  	[tilespmem:s6+$0x0] =	vst v4;
	(pc) =	sbr.rel @p0 .LBB2_4-.Ltmp0, $3  }
0x33: {  	v4 =	vld.idx.msk [tilespmem:v5+s2+$0x0], $0xffff;
	_ =	sdelay $0x1  }
0x34: {  	v5 =	vor.u32 s8, v0  }
0x35: {  	s8 =	sadd.s32 $0x10, s8;
	v5 =	vshrl.u32 v5, $0x3  }
0x36: {  	v5 =	vmul.u32 $0xC8, v5;
	_ =	sdelay $0x1  }
0x37: {  	v3 =	vadd.s32 v3, v5;
	v5 =	vshra.s32 v4, $0x2  }
0x38: {  	s7 =	sadd.s32 $0x10, s7;
	v5 =	vadd.s32 v4, v5  }
0x39: {  	s4 =	sadd.s32 $0x10, s4;
	v4 =	vshll.u32 v4, $0x1;
	[tilespmem:s7+$0x0] =	vst v5;
	v5 =	vadd.s32 $0x1, v5  }
0x3a: {  	s6 =	sadd.s32 $0x10, s6;
	v4 =	vand.u32 $0x6, v4;
	[tilespmem:s4+$0x0] =	vst v5  }
0x3b: {  	[tilespmem:s6+$0x0] =	vst v4  }
0x3c: {  	v3 =	vld.idx.msk [tilespmem:v3+s2+$0x0], $0xffff;
	_ =	sdelay $0x4  }
0x3d: {  	v4 =	vshra.s32 v3, $0x2  }
0x3e: {  	s7 =	sadd.s32 $0x10, s7;
	v4 =	vadd.s32 v3, v4  }
0x3f: {  	s4 =	sadd.s32 $0x10, s4;
	v3 =	vshll.u32 v3, $0x1;
	[tilespmem:s7+$0x0] =	vst v4;
	v4 =	vadd.s32 $0x1, v4  }
0x40: {  	v3 =	vand.u32 $0x6, v3;
	s7 =	sadd.s32 $0x10, s6;
	[tilespmem:s4+$0x0] =	vst v4  }
0x41: {  	s8 =	simm.s32 $0x6400;
	[tilespmem:s7+$0x0] =	vst v3  }
0x42: {  	[tilespmem:s11], [sflag:$0x1] =	stream.indirect.gather [hbm4b:s1+s9], $0x8, s8, s9, $0xb8;
	[tilespmem:$0xD800] =	vst v63  }
0x43: {  	s10 =	simm.s32 $0x6800;
	s12 =	simm.s32 $0x9000  }
0x44: {  	[tilespmem:s12], [sflag:$0x1] =	stream.indirect.gather [hbm4b:s1+s9], $0x8, s10, s9, $0xb8;
	[tilespmem:$0xD800] =	vst v63  }
0x45: {  	s7 =	simm.s32 $0x6480;
	s8 =	simm.s32 $0x7400  }
0x46: {  	[tilespmem:s8], [sflag:$0x1] =	stream.indirect.gather [hbm4b:s1+s9], $0x8, s7, s9, $0xb8;
	[tilespmem:$0xD800] =	vst v63  }
0x47: {  	s10 =	simm.s32 $0x6880;
	s12 =	simm.s32 $0x9400  }
0x48: {  	[tilespmem:s12], [sflag:$0x1] =	stream.indirect.gather [hbm4b:s1+s9], $0x8, s10, s9, $0xb8;
	[tilespmem:$0xD800] =	vst v63  }
0x49: {  	s7 =	simm.s32 $0x6500;
	s8 =	simm.s32 $0x7800  }
0x4a: {  	[tilespmem:s8], [sflag:$0x1] =	stream.indirect.gather [hbm4b:s1+s9], $0x8, s7, s9, $0xb8;
	[tilespmem:$0xD800] =	vst v63  }
0x4b: {  	s10 =	simm.s32 $0x6900;
	s12 =	simm.s32 $0x9800  }
0x4c: {  	[tilespmem:s12], [sflag:$0x1] =	stream.indirect.gather [hbm4b:s1+s9], $0x8, s10, s9, $0xb8;
	[tilespmem:$0xD800] =	vst v63  }
0x4d: {  	s7 =	simm.s32 $0x6580;
	s8 =	simm.s32 $0x7C00  }
0x4e: {  	[tilespmem:s8], [sflag:$0x1] =	stream.indirect.gather [hbm4b:s1+s9], $0x8, s7, s9, $0xb8;
	[tilespmem:$0xD800] =	vst v63  }
0x4f: {  	s10 =	simm.s32 $0x6980;
	s12 =	simm.s32 $0x9C00  }
0x50: {  	[tilespmem:s12], [sflag:$0x1] =	stream.indirect.gather [hbm4b:s1+s9], $0x8, s10, s9, $0xb8;
	[tilespmem:$0xD800] =	vst v63  }
0x51: {  	s7 =	simm.s32 $0x6600;
	s8 =	simm.s32 $0x8000  }
0x52: {  	[tilespmem:s8], [sflag:$0x1] =	stream.indirect.gather [hbm4b:s1+s9], $0x8, s7, s9, $0xb8;
	[tilespmem:$0xD800] =	vst v63  }
0x53: {  	s10 =	simm.s32 $0x6A00;
	s12 =	simm.s32 $0xA000  }
0x54: {  	[tilespmem:s12], [sflag:$0x1] =	stream.indirect.gather [hbm4b:s1+s9], $0x8, s10, s9, $0xb8;
	[tilespmem:$0xD800] =	vst v63  }
0x55: {  	s7 =	simm.s32 $0x6680;
	s8 =	simm.s32 $0x8400  }
0x56: {  	[tilespmem:s8], [sflag:$0x1] =	stream.indirect.gather [hbm4b:s1+s9], $0x8, s7, s9, $0xb8;
	[tilespmem:$0xD800] =	vst v63  }
0x57: {  	s10 =	simm.s32 $0x6A80;
	s12 =	simm.s32 $0xA400  }
0x58: {  	[tilespmem:s12], [sflag:$0x1] =	stream.indirect.gather [hbm4b:s1+s9], $0x8, s10, s9, $0xb8;
	[tilespmem:$0xD800] =	vst v63  }
0x59: {  	s7 =	simm.s32 $0x6700;
	s8 =	simm.s32 $0x8800  }
0x5a: {  	[tilespmem:s8], [sflag:$0x1] =	stream.indirect.gather [hbm4b:s1+s9], $0x8, s7, s9, $0xb8;
	[tilespmem:$0xD800] =	vst v63  }
0x5b: {  	s10 =	simm.s32 $0x6B00;
	s12 =	simm.s32 $0xA800  }
0x5c: {  	[tilespmem:s12], [sflag:$0x1] =	stream.indirect.gather [hbm4b:s1+s9], $0x8, s10, s9, $0xb8;
	[tilespmem:$0xD800] =	vst v63  }
0x5d: {  	s7 =	simm.s32 $0x6780  }
0x5e: {  	[tilespmem:s13], [sflag:$0x1] =	stream.indirect.gather [hbm4b:s1+s9], $0x8, s7, s9, $0xb8;
	[tilespmem:$0xD800] =	vst v63  }
0x5f: {  	_ = 	snop  }
0x60: {  	[tilespmem:s15], [sflag:$0x1] =	stream.indirect.gather [hbm4b:s1+s9], $0x8, s14, s9, $0xb8;
	[tilespmem:$0xD800] =	vst v63  }
0x61: {  	_ =	swait.ge [sflag:s16], $0x400  }
0x62: {  	[sflag:s16] =	ssyncset.done $0x0  }
0x63: {  	[sflag:s16] =	ssyncadd.s32 $0xFFFFFC00  }
0x64: {  	_ =	swait.ge [sflag:s16], $0x400  }
0x65: {  	[sflag:s16] =	ssyncset.done $0x0  }
0x66: {  	[sflag:s16] =	ssyncadd.s32 $0xFFFFFC00  }
0x67: {  	_ =	swait.ge [sflag:s16], $0x400  }
0x68: {  	[sflag:s16] =	ssyncset.done $0x0  }
0x69: {  	[sflag:s16] =	ssyncadd.s32 $0xFFFFFC00  }
0x6a: {  	_ =	swait.ge [sflag:s16], $0x400  }
0x6b: {  	[sflag:s16] =	ssyncset.done $0x0  }
0x6c: {  	[sflag:s16] =	ssyncadd.s32 $0xFFFFFC00  }
0x6d: {  	_ =	swait.ge [sflag:s16], $0x400  }
0x6e: {  	[sflag:s16] =	ssyncset.done $0x0  }
0x6f: {  	[sflag:s16] =	ssyncadd.s32 $0xFFFFFC00  }
0x70: {  	_ =	swait.ge [sflag:s16], $0x400  }
0x71: {  	[sflag:s16] =	ssyncset.done $0x0  }
0x72: {  	[sflag:s16] =	ssyncadd.s32 $0xFFFFFC00  }
0x73: {  	_ =	swait.ge [sflag:s16], $0x400  }
0x74: {  	[sflag:s16] =	ssyncset.done $0x0  }
0x75: {  	[sflag:s16] =	ssyncadd.s32 $0xFFFFFC00  }
0x76: {  	_ =	swait.ge [sflag:s16], $0x400  }
0x77: {  	[sflag:s16] =	ssyncset.done $0x0  }
0x78: {  	[sflag:s16] =	ssyncadd.s32 $0xFFFFFC00  }
0x79: {  	_ =	swait.ge [sflag:s16], $0x400  }
0x7a: {  	[sflag:s16] =	ssyncset.done $0x0  }
0x7b: {  	[sflag:s16] =	ssyncadd.s32 $0xFFFFFC00  }
0x7c: {  	_ =	swait.ge [sflag:s16], $0x400  }
0x7d: {  	[sflag:s16] =	ssyncset.done $0x0  }
0x7e: {  	[sflag:s16] =	ssyncadd.s32 $0xFFFFFC00  }
0x7f: {  	_ =	swait.ge [sflag:s16], $0x400  }
0x80: {  	[sflag:s16] =	ssyncset.done $0x0  }
0x81: {  	[sflag:s16] =	ssyncadd.s32 $0xFFFFFC00  }
0x82: {  	_ =	swait.ge [sflag:s16], $0x400  }
0x83: {  	[sflag:s16] =	ssyncset.done $0x0  }
0x84: {  	[sflag:s16] =	ssyncadd.s32 $0xFFFFFC00  }
0x85: {  	_ =	swait.ge [sflag:s16], $0x400  }
0x86: {  	[sflag:s16] =	ssyncset.done $0x0  }
0x87: {  	s8 =	simm.s32 $0x0;
	[sflag:s16] =	ssyncadd.s32 $0xFFFFFC00  }
0x88: {  	s4 =	sand.u32 $0x70, s8;
	_ =	swait.ge [sflag:s16], $0x400  }
0x89: {  	v3 =	vmov s4;
	[sflag:s16] =	ssyncset.done $0x0  }
0x8a: {  	v3 =	vshll.u32 v3, $0x3;
	[sflag:s16] =	ssyncadd.s32 $0xFFFFFC00  }
0x8b: {  	s10 =	simm.s32 $0x0;
	v3 =	vor.u32 v2, v3;
	_ =	swait.ge [sflag:s16], $0x400  }
0x8c: {  	v3 =	vadd.s32 s10, v3;
	[sflag:s16] =	ssyncset.done $0x0  }
0x8d: {  	[sflag:s16] =	ssyncadd.s32 $0xFFFFFC00  }
0x8e: {  	_ =	swait.ge [sflag:s16], $0x400  }
0x8f: {  	[sflag:s16] =	ssyncset.done $0x0  }
0x90: {  	[sflag:s16] =	ssyncadd.s32 $0xFFFFFC00  }
0x91: {  	v4 =	vld.idx.msk [tilespmem:v3+s17+$0x0], $0xffff;
	_ =	sdelay $0x4  }
0x92: {  	v5 =	vshll.u32 v4, $0x7  }
0x93: {  	v5 =	vand.u32 $0x1FFFFC00, v5  }
0x94: {  	v5 =	vadd.s32 v3, v5  }
0x95: {  	v6 =	vand.u32 $0x7, v4;
	v5 =	vshll.u32 v5, $0x3  }
0x96: {  	v7 =	vor.u32 v6, v5  }
0x97: {  	v8 =	vadd.s32 $0x1, v4  }
0x98: {  	v9 =	vshll.u32 v8, $0x7  }
0x99: {  	v9 =	vand.u32 $0x1FFFFC00, v9  }
0x9a: {  	v9 =	vadd.s32 v3, v9  }
0x9b: {  	v8 =	vand.u32 $0x7, v8;
	v9 =	vshll.u32 v9, $0x3;
	v7 =	vld.idx.msk [tilespmem:v7+s11+$0x0], $0xffff  }
0x9c: {  	v8 =	vor.u32 v8, v9  }
0x9d: {  	s12 =	simm.s32 $0x0;
	v50 =	vadd.s32 $0x2, v4  }
0x9e: {  	s6 =	sand.u32 $0x3FFFFF80, s12;
	v10 =	vshll.u32 v50, $0x7  }
0x9f: {  	s6 =	sor.u32 s4, s6;
	v10 =	vand.u32 $0x1FFFFC00, v10  }
0xa0: {  	v10 =	vadd.s32 v3, v10;
	[tilespmem:s6+$0xB000] =	vst v7  }
0xa1: {  	v9 =	vand.u32 $0x7, v50;
	v7 =	vshll.u32 v10, $0x3;
	v8 =	vld.idx.msk [tilespmem:v8+s11+$0x0], $0xffff  }
0xa2: {  	v7 =	vor.u32 v9, v7  }
0xa3: {  	v51 =	vadd.s32 $0x3, v4  }
0xa4: {  	v52 =	vshll.u32 v51, $0x7  }
0xa5: {  	v10 =	vand.u32 $0x1FFFFC00, v52  }
0xa6: {  	v10 =	vadd.s32 v3, v10;
	[tilespmem:s6+$0xB400] =	vst v8  }
0xa7: {  	v9 =	vand.u32 $0x7, v51;
	v53 =	vshll.u32 v10, $0x3;
	v7 =	vld.idx.msk [tilespmem:v7+s11+$0x0], $0xffff  }
0xa8: {  	v8 =	vor.u32 v9, v53  }
0xa9: {  	v54 =	vadd.s32 $0x4, v4  }
0xaa: {  	v55 =	vshll.u32 v54, $0x7  }
0xab: {  	v10 =	vand.u32 $0x1FFFFC00, v55  }
0xac: {  	v10 =	vadd.s32 v3, v10;
	[tilespmem:s6+$0xB800] =	vst v7  }
0xad: {  	v9 =	vand.u32 $0x7, v54;
	v7 =	vshll.u32 v10, $0x3;
	v8 =	vld.idx.msk [tilespmem:v8+s11+$0x0], $0xffff  }
0xae: {  	v7 =	vor.u32 v9, v7  }
0xaf: {  	v56 =	vadd.s32 $0x5, v4  }
0xb0: {  	v57 =	vshll.u32 v56, $0x7  }
0xb1: {  	v10 =	vand.u32 $0x1FFFFC00, v57  }
0xb2: {  	v10 =	vadd.s32 v3, v10;
	[tilespmem:s6+$0xBC00] =	vst v8  }
0xb3: {  	v9 =	vand.u32 $0x7, v56;
	v58 =	vshll.u32 v10, $0x3;
	v7 =	vld.idx.msk [tilespmem:v7+s11+$0x0], $0xffff  }
0xb4: {  	v8 =	vor.u32 v9, v58  }
0xb5: {  	v59 =	vadd.s32 $0x6, v4  }
0xb6: {  	v60 =	vshll.u32 v59, $0x7  }
0xb7: {  	v10 =	vand.u32 $0x1FFFFC00, v60  }
0xb8: {  	v10 =	vadd.s32 v3, v10;
	[tilespmem:s6+$0xC000] =	vst v7  }
0xb9: {  	v9 =	vand.u32 $0x7, v59;
	v7 =	vshll.u32 v10, $0x3;
	v8 =	vld.idx.msk [tilespmem:v8+s11+$0x0], $0xffff  }
0xba: {  	v7 =	vor.u32 v9, v7  }
0xbb: {  	v61 =	vadd.s32 $0x7, v4  }
0xbc: {  	v62 =	vshll.u32 v61, $0x7  }
0xbd: {  	v10 =	vand.u32 $0x1FFFFC00, v62  }
0xbe: {  	v10 =	vadd.s32 v3, v10;
	[tilespmem:s6+$0xC400] =	vst v8  }
0xbf: {  	v9 =	vand.u32 $0x7, v61;
	v63 =	vshll.u32 v10, $0x3;
	v7 =	vld.idx.msk [tilespmem:v7+s11+$0x0], $0xffff  }
0xc0: {  	v8 =	vor.u32 v9, v63;
	_ =	sdelay $0x3  }
0xc1: {  	[tilespmem:s6+$0xC800] =	vst v7  }
0xc2: {  	v5 =	vadd.s32 $0x2000, v5;
	v7 =	vld.idx.msk [tilespmem:v8+s11+$0x0], $0xffff  }
0xc3: {  	v5 =	vor.u32 v6, v5  }
0xc4: {  	v4 =	vadd.s32 $0x9, v4  }
0xc5: {  	v6 =	vshll.u32 v4, $0x7  }
0xc6: {  	v6 =	vand.u32 $0x1FFFFC00, v6  }
0xc7: {  	v3 =	vadd.s32 v3, v6;
	[tilespmem:s6+$0xCC00] =	vst v7  }
0xc8: {  	v4 =	vand.u32 $0x7, v4;
	v3 =	vshll.u32 v3, $0x3;
	v5 =	vld.idx.msk [tilespmem:v5+s11+$0x0], $0xffff  }
0xc9: {  	v4 =	vor.u32 v4, v3  }
0xca: {  	s4 =	simm.s32 $0x10  }
0xcb: {  	s10 =	sand.u32 $0x70, s4  }
0xcc: {  	v3 =	vmov s10  }
0xcd: {  	v3 =	vshll.u32 v3, $0x3;
	[tilespmem:s6+$0xD000] =	vst v5  }
0xce: {  	s8 =	simm.s32 $0x0;
	v3 =	vor.u32 v2, v3;
	v4 =	vld.idx.msk [tilespmem:v4+s11+$0x0], $0xffff  }
0xcf: {  	s7 =	simm.s32 $0x1;
	v3 =	vadd.s32 s8, v3;
	s8 =	simm.s32 $0x2  }
.LBB2_6:
0xd0: {  	_ =	sdelay $0x2  }
0xd1: {  	p0 =	sne.s32 s8, $0x3F;
	[tilespmem:s6+$0xD400] =	vst v4;
	s6 =	smov.u32 s8;
	s8 =	sadd.s32 $0x1, s8  }
0xd2: {  	v4 =	vld.idx.msk [tilespmem:v3+s17+$0x0], $0xffff;
	_ =	sdelay $0x5  }
0xd3: {  	v5 =	vshll.u32 v4, $0x7;
	v6 =	vadd.s32 $0x1, v4;
	v7 =	vadd.s32 $0x2, v4  }
0xd4: {  	v5 =	vand.u32 $0x1FFFFC00, v5;
	v8 =	vshll.u32 v6, $0x7;
	v9 =	vshll.u32 v7, $0x7  }
0xd5: {  	v5 =	vadd.s32 v3, v5;
	v8 =	vand.u32 $0x1FFFFC00, v8;
	v9 =	vand.u32 $0x1FFFFC00, v9  }
0xd6: {  	v10 =	vand.u32 $0x7, v4;
	v5 =	vshll.u32 v5, $0x3;
	v8 =	vadd.s32 v3, v8  }
0xd7: {  	v9 =	vadd.s32 v3, v9;
	v11 =	vor.u32 v10, v5;
	v8 =	vshll.u32 v8, $0x3  }
0xd8: {  	v12 =	vadd.s32 $0x3, v4;
	v13 =	vadd.s32 $0x4, v4;
	v9 =	vshll.u32 v9, $0x3  }
0xd9: {  	v16 =	vadd.s32 $0x5, v4;
	v14 =	vshll.u32 v12, $0x7;
	v15 =	vshll.u32 v13, $0x7  }
0xda: {  	v17 =	vshll.u32 v16, $0x7;
	v14 =	vand.u32 $0x1FFFFC00, v14;
	v15 =	vand.u32 $0x1FFFFC00, v15  }
0xdb: {  	v17 =	vand.u32 $0x1FFFFC00, v17;
	v14 =	vadd.s32 v3, v14;
	v15 =	vadd.s32 v3, v15  }
0xdc: {  	v17 =	vadd.s32 v3, v17;
	v14 =	vshll.u32 v14, $0x3;
	v15 =	vshll.u32 v15, $0x3;
	v11 =	vld.idx.msk [tilespmem:v11+s11+$0x0], $0xffff  }
0xdd: {  	v18 =	vadd.s32 $0x6, v4;
	v6 =	vand.u32 $0x7, v6;
	v17 =	vshll.u32 v17, $0x3  }
0xde: {  	v19 =	vadd.s32 $0x7, v4;
	v6 =	vor.u32 v6, v8;
	v8 =	vshll.u32 v18, $0x7  }
0xdf: {  	s12 =	sshll.u32 s7, $0x4;
	s7 =	smov.u32 s6;
	v20 =	vshll.u32 v19, $0x7;
	v5 =	vadd.s32 $0x2000, v5;
	v8 =	vand.u32 $0x1FFFFC00, v8  }
0xe0: {  	s6 =	sand.u32 $0x3FFFFF80, s12;
	v20 =	vand.u32 $0x1FFFFC00, v20;
	v5 =	vor.u32 v10, v5;
	v8 =	vadd.s32 v3, v8  }
0xe1: {  	s6 =	sor.u32 s10, s6;
	v4 =	vadd.s32 $0x9, v4;
	v10 =	vadd.s32 v3, v20;
	v8 =	vshll.u32 v8, $0x3  }
0xe2: {  	v10 =	vshll.u32 v10, $0x3;
	[tilespmem:s6+$0xB000] =	vst v11;
	v11 =	vshll.u32 v4, $0x7  }
0xe3: {  	v6 =	vld.idx.msk [tilespmem:v6+s11+$0x0], $0xffff;
	v11 =	vand.u32 $0x1FFFFC00, v11  }
0xe4: {  	v7 =	vand.u32 $0x7, v7;
	v3 =	vadd.s32 v3, v11  }
0xe5: {  	v7 =	vor.u32 v7, v9;
	v3 =	vshll.u32 v3, $0x3;
	_ =	sdelay $0x3  }
0xe6: {  	[tilespmem:s6+$0xB400] =	vst v6  }
0xe7: {  	v6 =	vld.idx.msk [tilespmem:v7+s11+$0x0], $0xffff  }
0xe8: {  	v7 =	vand.u32 $0x7, v12  }
0xe9: {  	v7 =	vor.u32 v7, v14;
	_ =	sdelay $0x3  }
0xea: {  	[tilespmem:s6+$0xB800] =	vst v6  }
0xeb: {  	v6 =	vld.idx.msk [tilespmem:v7+s11+$0x0], $0xffff  }
0xec: {  	v7 =	vand.u32 $0x7, v13  }
0xed: {  	v7 =	vor.u32 v7, v15;
	_ =	sdelay $0x3  }
0xee: {  	[tilespmem:s6+$0xBC00] =	vst v6  }
0xef: {  	v6 =	vld.idx.msk [tilespmem:v7+s11+$0x0], $0xffff  }
0xf0: {  	v7 =	vand.u32 $0x7, v16  }
0xf1: {  	v7 =	vor.u32 v7, v17;
	_ =	sdelay $0x3  }
0xf2: {  	[tilespmem:s6+$0xC000] =	vst v6  }
0xf3: {  	v6 =	vld.idx.msk [tilespmem:v7+s11+$0x0], $0xffff  }
0xf4: {  	v7 =	vand.u32 $0x7, v18  }
0xf5: {  	v7 =	vor.u32 v7, v8;
	_ =	sdelay $0x3  }
0xf6: {  	[tilespmem:s6+$0xC400] =	vst v6  }
0xf7: {  	v6 =	vld.idx.msk [tilespmem:v7+s11+$0x0], $0xffff  }
0xf8: {  	v7 =	vand.u32 $0x7, v19  }
0xf9: {  	v7 =	vor.u32 v7, v10;
	_ =	sdelay $0x3  }
0xfa: {  	[tilespmem:s6+$0xC800] =	vst v6  }
0xfb: {  	v6 =	vld.idx.msk [tilespmem:v7+s11+$0x0], $0xffff;
	_ =	sdelay $0x5  }
0xfc: {  	[tilespmem:s6+$0xCC00] =	vst v6  }
0xfd: {  	v5 =	vld.idx.msk [tilespmem:v5+s11+$0x0], $0xffff  }
0xfe: {  	v4 =	vand.u32 $0x7, v4  }
0xff: {  	v3 =	vor.u32 v4, v3;
	_ =	sdelay $0x1  }
0x100: {  	s4 =	sadd.s32 $0x10, s4  }
.Ltmp1:
0x101: {  	s10 =	sand.u32 $0x70, s4;
	(pc) =	sbr.rel @p0 .LBB2_6-.Ltmp1, $4  }
0x102: {  	v4 =	vmov s10;
	[tilespmem:s6+$0xD000] =	vst v5  }
0x103: {  	v5 =	vshll.u32 v4, $0x3;
	v4 =	vld.idx.msk [tilespmem:v3+s11+$0x0], $0xffff  }
0x104: {  	s12 =	sshrl.u32 s7, $0x3;
	v3 =	vor.u32 v2, v5  }
0x105: {  	v3 =	vadd.s32 s12, v3  }
0x106: {  	_ =	sdelay $0x2  }
0x107: {  	[tilespmem:s6+$0xD400] =	vst v4  }
0x108: {  	v4 =	vld.idx.msk [tilespmem:v3+s17+$0x0], $0xffff;
	_ =	sdelay $0x4  }
0x109: {  	v5 =	vshll.u32 v4, $0x7  }
0x10a: {  	v5 =	vand.u32 $0x1FFFFC00, v5  }
0x10b: {  	v5 =	vadd.s32 v3, v5  }
0x10c: {  	v6 =	vand.u32 $0x7, v4;
	v5 =	vshll.u32 v5, $0x3  }
0x10d: {  	v7 =	vor.u32 v6, v5  }
0x10e: {  	v8 =	vadd.s32 $0x1, v4  }
0x10f: {  	v9 =	vshll.u32 v8, $0x7  }
0x110: {  	v9 =	vand.u32 $0x1FFFFC00, v9  }
0x111: {  	v9 =	vadd.s32 v3, v9  }
0x112: {  	v8 =	vand.u32 $0x7, v8;
	v9 =	vshll.u32 v9, $0x3;
	v7 =	vld.idx.msk [tilespmem:v7+s11+$0x0], $0xffff  }
0x113: {  	v8 =	vor.u32 v8, v9  }
0x114: {  	s4 =	sshll.u32 s7, $0x4;
	v46 =	vadd.s32 $0x2, v4  }
0x115: {  	s4 =	sand.u32 $0x3FFFFF80, s4;
	v10 =	vshll.u32 v46, $0x7  }
0x116: {  	s4 =	sor.u32 s10, s4;
	v10 =	vand.u32 $0x1FFFFC00, v10  }
0x117: {  	v10 =	vadd.s32 v3, v10;
	[tilespmem:s4+$0xB000] =	vst v7  }
0x118: {  	v47 =	vshll.u32 v10, $0x3;
	v9 =	vand.u32 $0x7, v46;
	v8 =	vld.idx.msk [tilespmem:v8+s11+$0x0], $0xffff  }
0x119: {  	v7 =	vor.u32 v9, v47  }
0x11a: {  	v48 =	vadd.s32 $0x3, v4  }
0x11b: {  	v49 =	vshll.u32 v48, $0x7  }
0x11c: {  	v10 =	vand.u32 $0x1FFFFC00, v49  }
0x11d: {  	v10 =	vadd.s32 v3, v10;
	[tilespmem:s4+$0xB400] =	vst v8  }
0x11e: {  	v50 =	vshll.u32 v10, $0x3;
	v9 =	vand.u32 $0x7, v48;
	v7 =	vld.idx.msk [tilespmem:v7+s11+$0x0], $0xffff  }
0x11f: {  	v8 =	vor.u32 v9, v50  }
0x120: {  	v51 =	vadd.s32 $0x4, v4  }
0x121: {  	v52 =	vshll.u32 v51, $0x7  }
0x122: {  	v10 =	vand.u32 $0x1FFFFC00, v52  }
0x123: {  	v10 =	vadd.s32 v3, v10;
	[tilespmem:s4+$0xB800] =	vst v7  }
0x124: {  	v53 =	vshll.u32 v10, $0x3;
	v9 =	vand.u32 $0x7, v51;
	v8 =	vld.idx.msk [tilespmem:v8+s11+$0x0], $0xffff  }
0x125: {  	v7 =	vor.u32 v9, v53  }
0x126: {  	v54 =	vadd.s32 $0x5, v4  }
0x127: {  	v55 =	vshll.u32 v54, $0x7  }
0x128: {  	v10 =	vand.u32 $0x1FFFFC00, v55  }
0x129: {  	v10 =	vadd.s32 v3, v10;
	[tilespmem:s4+$0xBC00] =	vst v8  }
0x12a: {  	v56 =	vshll.u32 v10, $0x3;
	v9 =	vand.u32 $0x7, v54;
	v7 =	vld.idx.msk [tilespmem:v7+s11+$0x0], $0xffff  }
0x12b: {  	v8 =	vor.u32 v9, v56  }
0x12c: {  	v57 =	vadd.s32 $0x6, v4  }
0x12d: {  	v58 =	vshll.u32 v57, $0x7  }
0x12e: {  	v10 =	vand.u32 $0x1FFFFC00, v58  }
0x12f: {  	v10 =	vadd.s32 v3, v10;
	[tilespmem:s4+$0xC000] =	vst v7  }
0x130: {  	v59 =	vshll.u32 v10, $0x3;
	v9 =	vand.u32 $0x7, v57;
	v8 =	vld.idx.msk [tilespmem:v8+s11+$0x0], $0xffff  }
0x131: {  	v7 =	vor.u32 v9, v59  }
0x132: {  	v60 =	vadd.s32 $0x7, v4  }
0x133: {  	v61 =	vshll.u32 v60, $0x7  }
0x134: {  	v10 =	vand.u32 $0x1FFFFC00, v61  }
0x135: {  	v10 =	vadd.s32 v3, v10;
	[tilespmem:s4+$0xC400] =	vst v8  }
0x136: {  	v62 =	vshll.u32 v10, $0x3;
	v9 =	vand.u32 $0x7, v60;
	v7 =	vld.idx.msk [tilespmem:v7+s11+$0x0], $0xffff  }
0x137: {  	v8 =	vor.u32 v9, v62;
	_ =	sdelay $0x3  }
0x138: {  	[tilespmem:s4+$0xC800] =	vst v7  }
0x139: {  	v5 =	vadd.s32 $0x2000, v5;
	v7 =	vld.idx.msk [tilespmem:v8+s11+$0x0], $0xffff  }
0x13a: {  	v5 =	vor.u32 v6, v5  }
0x13b: {  	v4 =	vadd.s32 $0x9, v4  }
0x13c: {  	v63 =	vshll.u32 v4, $0x7  }
0x13d: {  	v6 =	vand.u32 $0x1FFFFC00, v63  }
0x13e: {  	v3 =	vadd.s32 v3, v6;
	[tilespmem:s4+$0xCC00] =	vst v7  }
0x13f: {  	v4 =	vand.u32 $0x7, v4;
	v3 =	vshll.u32 v3, $0x3;
	v5 =	vld.idx.msk [tilespmem:v5+s11+$0x0], $0xffff  }
0x140: {  	v3 =	vor.u32 v4, v3;
	_ =	sdelay $0x3  }
0x141: {  	[tilespmem:s4+$0xD000] =	vst v5  }
0x142: {  	v3 =	vld.idx.msk [tilespmem:v3+s11+$0x0], $0xffff;
	_ =	sdelay $0x1  }
0x143: {  	s7 =	sshll.u32 s3, $0x11  }
0x144: {  	s6 =	sadd.s32 s31, s7  }
0x145: {  	s6 =	sshrl.u32 s6, $0x3  }
0x146: {  	[tilespmem:s4+$0xD400] =	vst v3;
	s4 =	sadd.s32 s5, s6  }
0x147: {  	[hbm4b:s4+s9] =	stream.strided.scatter [tilespmem:s19], [sflag:$0x2], $0x400, s18, s9, $0x38;
	[tilespmem:$0xD800] =	vst v63  }
0x148: {  	s6 =	sadd.s32 $0x64000, s4  }
0x149: {  	[hbm4b:s6+s9] =	stream.strided.scatter [tilespmem:s20], [sflag:$0x2], $0x400, s18, s9, $0x38;
	[tilespmem:$0xD800] =	vst v63  }
0x14a: {  	s8 =	sadd.s32 $0xC8000, s4  }
0x14b: {  	[hbm4b:s8+s9] =	stream.strided.scatter [tilespmem:s21], [sflag:$0x2], $0x400, s18, s9, $0x38;
	[tilespmem:$0xD800] =	vst v63  }
0x14c: {  	s10 =	sadd.s32 $0x12C000, s4  }
0x14d: {  	[hbm4b:s10+s9] =	stream.strided.scatter [tilespmem:s22], [sflag:$0x2], $0x400, s18, s9, $0x38;
	[tilespmem:$0xD800] =	vst v63  }
0x14e: {  	s12 =	sadd.s32 $0x190000, s4  }
0x14f: {  	[hbm4b:s12+s9] =	stream.strided.scatter [tilespmem:s23], [sflag:$0x2], $0x400, s18, s9, $0x38;
	[tilespmem:$0xD800] =	vst v63  }
0x150: {  	s7 =	sadd.s32 $0x1F4000, s4  }
0x151: {  	[hbm4b:s7+s9] =	stream.strided.scatter [tilespmem:s24], [sflag:$0x2], $0x400, s18, s9, $0x38;
	[tilespmem:$0xD800] =	vst v63  }
0x152: {  	s8 =	sadd.s32 $0x258000, s4  }
0x153: {  	[hbm4b:s8+s9] =	stream.strided.scatter [tilespmem:s25], [sflag:$0x2], $0x400, s18, s9, $0x38;
	[tilespmem:$0xD800] =	vst v63  }
0x154: {  	s3 =	sadd.s32 $0x1, s3;
	s10 =	sadd.s32 $0x2BC000, s4  }
0x155: {  	[hbm4b:s10+s9] =	stream.strided.scatter [tilespmem:s26], [sflag:$0x2], $0x400, s18, s9, $0x38;
	[tilespmem:$0xD800] =	vst v63  }
0x156: {  	p0 =	sne.s32 s3, $0x19;
	s12 =	sadd.s32 $0x320000, s4  }
0x157: {  	[hbm4b:s12+s9] =	stream.strided.scatter [tilespmem:s28], [sflag:$0x2], $0x400, s18, s9, $0x38;
	[tilespmem:$0xD800] =	vst v63  }
.Ltmp2:
0x158: {  	s4 =	sadd.s32 $0x384000, s4;
	(pc) =	sbr.rel @p0 .LBB2_3-.Ltmp2, $4  }
0x159: {  	[hbm4b:s4+s9] =	stream.strided.scatter [tilespmem:s29], [sflag:$0x2], $0x400, s18, s9, $0x38;
	[tilespmem:$0xD800] =	vst v63  }
0x15a: {  	_ =	swait.ge [sflag:s30], $0x2800  }
0x15b: {  	[sflag:s30] =	ssyncset.done $0x0  }
0x15c: {  	[sflag:s30] =	ssyncadd.s32 $0xFFFFD800  }
0x15d: {  	s0 =	rddreg [dreg:$0x7]  }
0x15e: {  	s0 =	sadd.s32 $0x1, s0  }
0x15f: {  	p0 =	sne.s32 s0, $0x4  }
.Ltmp3:
0x160: {  	_ = 	snop;
	(pc) =	sbr.rel @p0 .LBB2_2-.Ltmp3, $1  }
0x161: {  	_ =	sdelay $0x3  }
0x162: {  	s3 =	rddreg [dreg:$0x6]  }
0x163: {  	s0 =	rddreg [dreg:$0x5];
	s3 =	sadd.s32 $0x1, s3  }
0x164: {  	p0 =	sne.s32 s3, s0  }
.Ltmp4:
0x165: {  	_ = 	snop;
	(pc) =	sbr.rel @p0 .LBB2_1-.Ltmp4, $1  }
0x166: {  	_ =	sdelay $0x3  }
0x167: {  	_ =	sfence.sel $0x180000  }
0x168: {  	[bflag:$0x0] =	sbarrier.arrive $0xFFFF  }
0x169: {  	_ =	strace $0x90000047  }
0x16a: {  	s0 =	stileid.u32;
	[bflag:$0x2] =	sbarrier.arrive $0xFFFF  }
0x16b: {  	p0 =	sne.s32 s0, $0x0;
	s0 =	rddreg [dreg:$0x2]  }
0x16c: {  	s0 =	sadd.s32 @!p0 $0x100000, s0  }
0x16d: {  	[sflag:s0] =	ssyncadd.tile.s32 @!p0 $0x1;
	_ =	shalt  }
.Lfunc_end2:
_tile_overlayer_lowered:
.L_overlay_start_2:
0x16e: {  	(tag) =	ssettag $0x2  }
0x16f: {  	s0 =	rddreg [dreg:$0x0];
	s2 =	stileid.u32  }
0x170: {  	s1 =	rddreg [dreg:$0x1];
	p0 =	sne.s32 s2, $0x0  }
0x171: {  	s3 =	rddreg [dreg:$0x2];
	[bflag:$0x3] =	sbarrier.arrive $0xFFFF;
	s2 =	simm.s32 @!p0 $0x1C03  }
0x172: {  	[timem:s3], [sflag:s2] =	dma.local @!p0 [hbm:s0], s1  }
0x173: {  	s0 =	simm.s32 @!p0 $0x3  }
0x174: {  	_ =	swait.ge @!p0 [sflag:s0], s1  }
0x175: {  	s1 =	ssub.s32 @!p0 $0x0, s1;
	[sflag:s0] =	ssyncset.done @!p0 $0x0  }
0x176: {  	[sflag:s0] =	ssyncadd.s32 @!p0 s1  }
0x177: {  	[bflag:$0x3] =	sbarrier.arrive $0xFFFF  }
0x178: {  	_ =	shalt  }

</sc_bundles>
